<compile_context>
chip_gen: v7x
topology: tpu7x:2x2x1
jax: 0.10.2.dev20260603
libtpu: 0.0.44.dev20260713+nightly
codegen_flags: <defaults>
</compile_context>

<pallas_src>
import functools

import jax
import jax.numpy as jnp
import numpy as np
from jax import lax
from jax.experimental import pallas as pl
from jax.experimental.pallas import tpu as pltpu
from jax.experimental.pallas import tpu_sc as plsc

NPTS = 16384
NCLU = 8
KNN = 8
NFREQ = 10
DENC = 63
HID = 256
DIN = 96
DOUT = 16
BLK = 1024
MAXBLK = NPTS // BLK + NCLU - 1
CAP = MAXBLK * BLK
PREPC = 2048
A2 = 128

SC_NC = 2
SC_NS = 16
NW = SC_NC * SC_NS
RPW = NPTS // NW
RCHUNK = 128


def _prep_cols_body(xt_ref, dist_ref, cidst_ref, dist3_ref, wlin80_ref,
                    lam_ref, inp_ref, dst_ref, nb_ref):
    f32 = jnp.float32
    n = xt_ref.shape[1]
    xt = xt_ref[...]
    dist = dist_ref[...]
    cids = cidst_ref[...]

    iota8 = lax.broadcasted_iota(jnp.int32, (KNN, n), 0)
    min_d = jnp.min(dist, axis=0, keepdims=True)
    nearest = jnp.min(jnp.where(dist == min_d, iota8, KNN), axis=0,
                      keepdims=True)
    one_hot = (iota8 == nearest).astype(f32)
    lam = jnp.sum(one_hot * lam_ref[...], axis=0, keepdims=True)

    s = lam * jnp.exp(-lam * dist)
    s = s - jnp.max(s, axis=0, keepdims=True)
    es = jnp.exp(s)
    w = es / jnp.sum(es, axis=0, keepdims=True)

    ir = lax.broadcasted_iota(jnp.int32, (2 + 3 * NFREQ, 3), 0)
    ic = lax.broadcasted_iota(jnp.int32, (2 + 3 * NFREQ, 3), 1)
    p32 = ((ir % 3 == ic) & (ir < 3 * NFREQ)).astype(f32)
    f32col = jnp.exp2((lax.broadcasted_iota(jnp.int32, (2 + 3 * NFREQ, 1), 0)
                       // 3).astype(f32))
    xf = jnp.dot(p32, xt, preferred_element_type=f32,
                 precision=lax.Precision.HIGHEST) * f32col
    enc80 = jnp.concatenate(
        [jnp.zeros((8, n), f32), xt, jnp.zeros((5, n), f32),
         jnp.sin(xf), jnp.cos(xf)], axis=0)

    rgb_all = jnp.dot(wlin80_ref[...], enc80,
                      preferred_element_type=f32)
    wc = jnp.concatenate(
        [jnp.sum(w * (cids == c), axis=0, keepdims=True) for c in range(NCLU)],
        axis=0)
    j24 = lax.broadcasted_iota(jnp.int32, (3 * NCLU, NCLU), 0)
    c8 = lax.broadcasted_iota(jnp.int32, (3 * NCLU, NCLU), 1)
    r24 = (j24 // 3 == c8).astype(f32)
    prod = rgb_all * jnp.dot(r24, wc, preferred_element_type=f32)
    k3 = lax.broadcasted_iota(jnp.int32, (3, 3 * NCLU), 0)
    j24b = lax.broadcasted_iota(jnp.int32, (3, 3 * NCLU), 1)
    s3 = (j24b % 3 == k3).astype(f32)
    rgb = jnp.dot(s3, prod, preferred_element_type=f32)

    invalid = ((xt[0:1] == -1.0) & (xt[1:2] == -1.0) & (xt[2:3] == -1.0))
    keep = jnp.where(invalid, 0.0, 1.0)
    inp_ref[...] = (jnp.concatenate(
        [rgb, jnp.zeros((5, n), f32), enc80[8:, :],
         jnp.zeros((DIN - 80, n), f32)], axis=0) * keep).astype(jnp.bfloat16)

    best = dist3_ref[0]
    ne2d = jnp.zeros((A2, A2), jnp.int32)
    for e in range(1, NCLU):
        lt = dist3_ref[e] < best
        ne2d = jnp.where(lt, e, ne2d)
        best = jnp.where(lt, dist3_ref[e], best)

    ia = lax.broadcasted_iota(jnp.int32, (A2, A2), 0)
    ib = lax.broadcasted_iota(jnp.int32, (A2, A2), 1)
    lstrict = (ia < ib).astype(f32)
    astrict = (ib < ia).astype(f32)

    dst2d = jnp.zeros((A2, A2), f32)
    running = jnp.float32(0.0)
    for e in range(NCLU):
        oh_e = (ne2d == e).astype(f32)
        within_e = jnp.dot(oh_e, lstrict, preferred_element_type=f32)
        ctot_e = jnp.sum(oh_e, axis=1, keepdims=True)
        coff_e = jnp.dot(astrict, ctot_e, preferred_element_type=f32)
        cnt_e = jnp.sum(ctot_e)
        nb_e = jnp.floor((cnt_e + (BLK - 1)) * (1.0 / BLK))
        nb_ref[e] = nb_e.astype(jnp.int32)
        dst2d = dst2d + (within_e + coff_e + running) * oh_e
        running = running + nb_e * BLK
    dst_ref[...] = dst2d.astype(jnp.int32)


def _mlp_body(be_ref, x_ref, w1_ref, w2_ref, w3_ref, o_ref):
    f32 = jnp.float32
    bf = jnp.bfloat16
    x = x_ref[...]
    h = jnp.maximum(jnp.dot(x, w1_ref[0], preferred_element_type=f32), 0.0)
    h = jnp.maximum(jnp.dot(h.astype(bf), w2_ref[0],
                            preferred_element_type=f32), 0.0)
    o_ref[...] = jnp.tanh(jnp.dot(h.astype(bf), w3_ref[0],
                                  preferred_element_type=f32))


def _dispatch_body(inp_hbm, dst_hbm, out_hbm, idx_v, rows_v, sem):
    wid = lax.axis_index("s") * SC_NC + lax.axis_index("c")
    base = wid * RPW
    pltpu.sync_copy(dst_hbm.at[pl.ds(wid * (RPW // RCHUNK), RPW // RCHUNK)],
                    idx_v)
    pltpu.sync_copy(inp_hbm.at[pl.ds(base, RPW)], rows_v)
    copies = [pltpu.async_copy(rows_v.at[pl.ds(j * RCHUNK, RCHUNK)],
                               out_hbm.at[idx_v.at[j]], sem)
              for j in range(RPW // RCHUNK)]
    for c in copies:
        c.wait()


def _collect_body(outs_hbm, dst_hbm, out_hbm, idx_v, rows_v, sem):
    wid = lax.axis_index("s") * SC_NC + lax.axis_index("c")
    base = wid * RPW
    pltpu.sync_copy(dst_hbm.at[pl.ds(wid * (RPW // RCHUNK), RPW // RCHUNK)],
                    idx_v)
    copies = [pltpu.async_copy(outs_hbm.at[idx_v.at[j]],
                               rows_v.at[pl.ds(j * RCHUNK, RCHUNK)], sem)
              for j in range(RPW // RCHUNK)]
    for c in copies:
        c.wait()
    pltpu.sync_copy(rows_v, out_hbm.at[pl.ds(base, RPW)])


def _feat_maps():
    my, ref = [0, 1, 2], [0, 1, 2]
    for k in range(3):
        my.append(8 + k); ref.append(3 + k)
    for f in range(NFREQ):
        for k in range(3):
            my.append(16 + 3 * f + k); ref.append(6 + 6 * f + k)
    for f in range(NFREQ):
        for k in range(3):
            my.append(48 + 3 * f + k); ref.append(9 + 6 * f + k)
    return np.asarray(my), np.asarray(ref)


@jax.jit
def kernel(X, cluster_ids, dist, W_lin, lambdas, W1, W2, W3):
    f32 = jnp.float32
    dist3 = dist.reshape(NCLU, A2, A2)
    lam_col = lambdas.reshape(NCLU, 1).astype(f32)
    cids_t = cluster_ids.astype(jnp.int32).T

    myc, refc = _feat_maps()
    wlin80 = jnp.zeros((3 * NCLU, 80), f32).at[:, myc[3:]].set(
        W_lin[:, refc[3:] - 3].astype(f32))

    inp_t, dst2d, nb = pl.pallas_call(
        _prep_cols_body,
        out_shape=[
            jax.ShapeDtypeStruct((DIN, NPTS), jnp.bfloat16),
            jax.ShapeDtypeStruct((A2, A2), jnp.int32),
            jax.ShapeDtypeStruct((NCLU,), jnp.int32),
        ],
        out_specs=[
            pl.BlockSpec(memory_space=pltpu.MemorySpace.VMEM),
            pl.BlockSpec(memory_space=pltpu.MemorySpace.VMEM),
            pl.BlockSpec(memory_space=pltpu.MemorySpace.SMEM),
        ],
    )(X.T.astype(f32), dist.astype(f32), cids_t, dist3, wlin80, lam_col)
    inp = inp_t.T

    bf = jnp.bfloat16
    w1p = jnp.zeros((NCLU, HID, DIN), bf).at[:, :, myc].set(
        W1[:, :, refc].astype(bf))
    w1t = w1p.transpose(0, 2, 1)
    w2t = W2.transpose(0, 2, 1).astype(bf)
    w3p = jnp.zeros((NCLU, DOUT, HID), bf).at[:, :3, :].set(W3.astype(bf))
    w3t = w3p.transpose(0, 2, 1)

    cnb = jnp.cumsum(nb)
    be = jnp.sum(
        (jnp.arange(MAXBLK, dtype=jnp.int32)[:, None] >= cnb[None, :])
        .astype(jnp.int32), axis=1)
    be = jnp.minimum(be, NCLU - 1).astype(jnp.int32)

    mesh = plsc.VectorSubcoreMesh(core_axis_name="c", subcore_axis_name="s")
    inp_sorted = pl.kernel(
        _dispatch_body,
        out_type=jax.ShapeDtypeStruct((CAP, DIN), jnp.bfloat16),
        mesh=mesh,
        compiler_params=pltpu.CompilerParams(use_tc_tiling_on_sc=False),
        scratch_types=[
            pltpu.VMEM((RPW // RCHUNK, RCHUNK), jnp.int32),
            pltpu.VMEM((RPW, DIN), jnp.bfloat16),
            pltpu.SemaphoreType.DMA,
        ],
    )(inp, dst2d)

    out_sorted = pl.pallas_call(
        _mlp_body,
        grid_spec=pltpu.PrefetchScalarGridSpec(
            num_scalar_prefetch=1,
            grid=(MAXBLK,),
            in_specs=[
                pl.BlockSpec((BLK, DIN), lambda m, be: (m, 0)),
                pl.BlockSpec((1, DIN, HID), lambda m, be: (be[m], 0, 0)),
                pl.BlockSpec((1, HID, HID), lambda m, be: (be[m], 0, 0)),
                pl.BlockSpec((1, HID, DOUT), lambda m, be: (be[m], 0, 0)),
            ],
            out_specs=pl.BlockSpec((BLK, DOUT), lambda m, be: (m, 0)),
        ),
        out_shape=jax.ShapeDtypeStruct((CAP, DOUT), f32),
    )(be, inp_sorted, w1t, w2t, w3t)

    out_pad = pl.kernel(
        _collect_body,
        out_type=jax.ShapeDtypeStruct((NPTS, DOUT), f32),
        mesh=mesh,
        compiler_params=pltpu.CompilerParams(use_tc_tiling_on_sc=False),
        scratch_types=[
            pltpu.VMEM((RPW // RCHUNK, RCHUNK), jnp.int32),
            pltpu.VMEM((RPW, DOUT), f32),
            pltpu.SemaphoreType.DMA,
        ],
    )(out_sorted, dst2d)

    return out_pad[:, :3]

# --- scband reference (transcript-rebuilt; emitter-appended) ---
"""Pipeline reference for scband-clusterised-linear-network-sgd-47107201303342 (READ-ONLY COPY).

The authoritative reference and input builder live on the scoring server;
editing this copy changes nothing except your own understanding.
"""

import jax, jax.numpy as jnp
import numpy as np

NUM_CLUSTERS = 8
KNN = 8
NUM_FREQS = 10
N = 16384
D_ENC = 3 + 3 * 2 * NUM_FREQS  # 63
HID = 256

def embed_fn(X):
    # NeRF positional encoding: [x, sin(2^k x), cos(2^k x)] for k in 0..NUM_FREQS-1
    freqs = (2.0 ** jnp.arange(NUM_FREQS)).astype(jnp.float32)
    xf = X[:, None, :] * freqs[None, :, None]  # [N, F, 3]
    enc = jnp.concatenate([jnp.sin(xf), jnp.cos(xf)], axis=-1).reshape(X.shape[0], -1)  # [N, 6F]
    return jnp.concatenate([X, enc], axis=-1)  # [N, 3 + 6F] = [N, 63]


def setup_inputs(seed: int = 0) -> dict:
    key = jax.random.key(seed)
    ks = jax.random.split(key, 8)
    X = jax.random.normal(ks[0], (N, 3), dtype=jnp.float32)
    cluster_ids = jax.random.randint(ks[1], (N, KNN), 0, NUM_CLUSTERS).astype(jnp.int64) if jax.config.jax_enable_x64 else jax.random.randint(ks[1], (N, KNN), 0, NUM_CLUSTERS)
    dist = jax.random.uniform(ks[2], (KNN, N), dtype=jnp.float32)
    # learned params
    W_lin = jax.random.normal(ks[3], (NUM_CLUSTERS * 3, D_ENC), dtype=jnp.float32) * 0.05  # linear_net.weight (linear_mappings reshaped)
    lambdas = jnp.ones((NUM_CLUSTERS,), dtype=jnp.float32) * 15.0
    W1 = jax.random.normal(ks[4], (NUM_CLUSTERS, HID, 3 + D_ENC), dtype=jnp.float32) * 0.05  # per-cluster MLP layer 0
    W2 = jax.random.normal(ks[5], (NUM_CLUSTERS, HID, HID), dtype=jnp.float32) * 0.05        # per-cluster MLP layer 2
    W3 = jax.random.normal(ks[6], (NUM_CLUSTERS, 3, HID), dtype=jnp.float32) * 0.05          # per-cluster MLP layer 4
    return {"X": X, "cluster_ids": cluster_ids, "dist": dist, "W_lin": W_lin,
            "lambdas": lambdas, "W1": W1, "W2": W2, "W3": W3}


def reference(X, cluster_ids, dist, W_lin, lambdas, W1, W2, W3):
    n = X.shape[0]
    mask = (X[:, 0] == -1.0) & (X[:, 1] == -1.0) & (X[:, 2] == -1.0)  # invalid points
    enc = embed_fn(X)  # [N, 63]
    nearest = jnp.argmin(dist, axis=0)  # [N]
    lam = lambdas[nearest]              # [N] gather
    weights = jax.nn.softmax(lam[None, :] * jnp.exp(-lam[None, :] * dist), axis=0)  # [KNN, N]
    # linear stage (batch_size == N so single batch)
    rgb_all = enc @ W_lin.T                       # [N, NUM_CLUSTERS*3]
    rgb_all = rgb_all.reshape(n, -1, 3)           # [N, NUM_CLUSTERS, 3]
    rows = jnp.arange(n)
    rgb = jnp.zeros((n, 3), dtype=jnp.float32)
    for j in range(KNN):
        rgb = rgb + rgb_all[rows, cluster_ids[:, j]] * weights[j][:, None]  # gather + weighted mix
    # per-cluster (expert) MLP refinement, selected by nearest cluster
    inp = jnp.concatenate([rgb, enc], axis=1)     # [N, 66]
    out = rgb
    for i in range(NUM_CLUSTERS):
        h = jnp.maximum(inp @ W1[i].T, 0.0)
        h = jnp.maximum(h @ W2[i].T, 0.0)
        h = jnp.tanh(h @ W3[i].T)                 # [N, 3]
        out = jnp.where((nearest == i)[:, None], h, out)
    out = jnp.where(mask[:, None], 0.0, out)      # masked points stay zero
    return out


if False:  # reference __main__ guard neutralized (emitter)
    o = reference(**setup_inputs())
    print(o.shape, o.dtype)

if __name__ == "__main__":
    import jax
    _d = setup_inputs()
    print(jax.jit(kernel)(*tuple(_d.values())))

</pallas_src>

<mosaic_0001>
#map = affine_map<(d0, d1) -> (0, 0)>
module attributes {stable_mosaic.version = 14 : i64} {
  func.func @_dispatch_body(%arg0: i32, %arg1: i32, %arg2: memref<16384x96xbf16, #tpu.memory_space<hbm>>, %arg3: memref<128x128xi32, #tpu.memory_space<hbm>>, %arg4: memref<23552x96xbf16, #tpu.memory_space<hbm>>, %arg5: memref<4x128xi32, #tpu.memory_space<vmem>>, %arg6: memref<512x96xbf16, #tpu.memory_space<vmem>>, %arg7: memref<!tpu.dma_semaphore, #tpu.memory_space<semaphore_mem>>) attributes {dimension_semantics = [#tpu.dimension_semantics<core_parallel>, #tpu.dimension_semantics<subcore_parallel>], iteration_bounds = array<i64: 2, 16>, scalar_prefetch = 0 : i64, scratch_operands = 3 : i64, tpu.core_type = #tpu.core_type<sc_vector_subcore>, window_params = [{transform_indices = #map}, {transform_indices = #map}, {transform_indices = #map}]} {
    %mul3A = arith.constant 2 : i32
    %mul3A_0 = arith.muli %arg1, %mul3A : i32
    %add3A = arith.addi %mul3A_0, %arg0 : i32
    %mul3A_1 = arith.constant 512 : i32
    %mul3A_2 = arith.muli %add3A, %mul3A_1 : i32
    %mul3A_3 = arith.constant 4 : i32
    %mul3A_4 = arith.muli %add3A, %mul3A_3 : i32
    "tpu.region"() ({
      %run_scoped3A = tpu.sem_alloc : memref<!tpu.dma_semaphore, #tpu.memory_space<semaphore_mem>>
      %dma_start3A_83 = arith.constant 0 : i32
      %dma_start3A_84 = tpu.memref_slice %arg3[%mul3A_4, %dma_start3A_83] : memref<128x128xi32, #tpu.memory_space<hbm>> -> memref<4x128xi32, #tpu.memory_space<hbm>>
      %dma_start3A_85 = arith.constant 0 : i32
      %dma_start3A_86 = tpu.memref_slice %arg3[%mul3A_4, %dma_start3A_85] : memref<128x128xi32, #tpu.memory_space<hbm>> -> memref<4x128xi32, #tpu.memory_space<hbm>>
      tpu.enqueue_dma source(%dma_start3A_86 : memref<4x128xi32, #tpu.memory_space<hbm>>) target(%arg5 : memref<4x128xi32, #tpu.memory_space<vmem>>) target_semaphore(%run_scoped3A : memref<!tpu.dma_semaphore, #tpu.memory_space<semaphore_mem>>)
      %dma_wait3A_87 = arith.constant 0 : i32
      %dma_wait3A_88 = tpu.memref_slice %arg3[%mul3A_4, %dma_wait3A_87] : memref<128x128xi32, #tpu.memory_space<hbm>> -> memref<4x128xi32, #tpu.memory_space<hbm>>
      %dma_wait3A_89 = arith.constant 0 : i32
      %dma_wait3A_90 = tpu.memref_slice %arg3[%mul3A_4, %dma_wait3A_89] : memref<128x128xi32, #tpu.memory_space<hbm>> -> memref<4x128xi32, #tpu.memory_space<hbm>>
      tpu.wait_dma2 semaphore(%run_scoped3A : memref<!tpu.dma_semaphore, #tpu.memory_space<semaphore_mem>>) src(%dma_wait3A_90 : memref<4x128xi32, #tpu.memory_space<hbm>>) dst(%arg5 : memref<4x128xi32, #tpu.memory_space<vmem>>)
      tpu.yield
    }) : () -> ()
    "tpu.region"() ({
      %run_scoped3A = tpu.sem_alloc : memref<!tpu.dma_semaphore, #tpu.memory_space<semaphore_mem>>
      %dma_start3A_83 = arith.constant 0 : i32
      %dma_start3A_84 = tpu.memref_slice %arg2[%mul3A_2, %dma_start3A_83] : memref<16384x96xbf16, #tpu.memory_space<hbm>> -> memref<512x96xbf16, #tpu.memory_space<hbm>>
      %dma_start3A_85 = arith.constant 0 : i32
      %dma_start3A_86 = tpu.memref_slice %arg2[%mul3A_2, %dma_start3A_85] : memref<16384x96xbf16, #tpu.memory_space<hbm>> -> memref<512x96xbf16, #tpu.memory_space<hbm>>
      tpu.enqueue_dma source(%dma_start3A_86 : memref<512x96xbf16, #tpu.memory_space<hbm>>) target(%arg6 : memref<512x96xbf16, #tpu.memory_space<vmem>>) target_semaphore(%run_scoped3A : memref<!tpu.dma_semaphore, #tpu.memory_space<semaphore_mem>>)
      %dma_wait3A_87 = arith.constant 0 : i32
      %dma_wait3A_88 = tpu.memref_slice %arg2[%mul3A_2, %dma_wait3A_87] : memref<16384x96xbf16, #tpu.memory_space<hbm>> -> memref<512x96xbf16, #tpu.memory_space<hbm>>
      %dma_wait3A_89 = arith.constant 0 : i32
      %dma_wait3A_90 = tpu.memref_slice %arg2[%mul3A_2, %dma_wait3A_89] : memref<16384x96xbf16, #tpu.memory_space<hbm>> -> memref<512x96xbf16, #tpu.memory_space<hbm>>
      tpu.wait_dma2 semaphore(%run_scoped3A : memref<!tpu.dma_semaphore, #tpu.memory_space<semaphore_mem>>) src(%dma_wait3A_90 : memref<512x96xbf16, #tpu.memory_space<hbm>>) dst(%arg6 : memref<512x96xbf16, #tpu.memory_space<vmem>>)
      tpu.yield
    }) : () -> ()
    %dma_start3A = arith.constant 0 : i32
    %dma_start3A_5 = arith.constant 0 : i32
    %dma_start3A_6 = arith.constant 0 : i32
    %dma_start3A_7 = tpu.memref_slice %arg6[%dma_start3A_5, %dma_start3A_6] : memref<512x96xbf16, #tpu.memory_space<vmem>> -> memref<128x96xbf16, #tpu.memory_space<vmem>>
    %dma_start3A_8 = arith.constant 0 : i32
    %dma_start3A_9 = tpu.memref_slice %arg5[%dma_start3A, %dma_start3A_8] : memref<4x128xi32, #tpu.memory_space<vmem>> -> memref<1x128xi32, #tpu.memory_space<vmem>>
    %dma_start3A_10 = tpu.memref_squeeze %dma_start3A_9 : memref<1x128xi32, #tpu.memory_space<vmem>> -> memref<128xi32, #tpu.memory_space<vmem>>
    %dma_start3A_11 = arith.constant 0 : i32
    %dma_start3A_12 = arith.constant 0 : i32
    %dma_start3A_13 = tpu.memref_slice %arg4[%dma_start3A_11, %dma_start3A_12] : memref<23552x96xbf16, #tpu.memory_space<hbm>> -> memref<23552x96xbf16, #tpu.memory_space<hbm>>
    tpu.enqueue_indirect_dma source(%dma_start3A_7 : memref<128x96xbf16, #tpu.memory_space<vmem>>) target(%dma_start3A_13 : memref<23552x96xbf16, #tpu.memory_space<hbm>>) offsets(%dma_start3A_10 : memref<128xi32, #tpu.memory_space<vmem>>) semaphore(%arg7 : memref<!tpu.dma_semaphore, #tpu.memory_space<semaphore_mem>>)
    %dma_start3A_14 = arith.constant 1 : i32
    %dma_start3A_15 = arith.constant 128 : i32
    %dma_start3A_16 = arith.constant 0 : i32
    %dma_start3A_17 = tpu.memref_slice %arg6[%dma_start3A_15, %dma_start3A_16] : memref<512x96xbf16, #tpu.memory_space<vmem>> -> memref<128x96xbf16, #tpu.memory_space<vmem>>
    %dma_start3A_18 = arith.constant 0 : i32
    %dma_start3A_19 = tpu.memref_slice %arg5[%dma_start3A_14, %dma_start3A_18] : memref<4x128xi32, #tpu.memory_space<vmem>> -> memref<1x128xi32, #tpu.memory_space<vmem>>
    %dma_start3A_20 = tpu.memref_squeeze %dma_start3A_19 : memref<1x128xi32, #tpu.memory_space<vmem>> -> memref<128xi32, #tpu.memory_space<vmem>>
    %dma_start3A_21 = arith.constant 0 : i32
    %dma_start3A_22 = arith.constant 0 : i32
    %dma_start3A_23 = tpu.memref_slice %arg4[%dma_start3A_21, %dma_start3A_22] : memref<23552x96xbf16, #tpu.memory_space<hbm>> -> memref<23552x96xbf16, #tpu.memory_space<hbm>>
    tpu.enqueue_indirect_dma source(%dma_start3A_17 : memref<128x96xbf16, #tpu.memory_space<vmem>>) target(%dma_start3A_23 : memref<23552x96xbf16, #tpu.memory_space<hbm>>) offsets(%dma_start3A_20 : memref<128xi32, #tpu.memory_space<vmem>>) semaphore(%arg7 : memref<!tpu.dma_semaphore, #tpu.memory_space<semaphore_mem>>)
    %dma_start3A_24 = arith.constant 2 : i32
    %dma_start3A_25 = arith.constant 256 : i32
    %dma_start3A_26 = arith.constant 0 : i32
    %dma_start3A_27 = tpu.memref_slice %arg6[%dma_start3A_25, %dma_start3A_26] : memref<512x96xbf16, #tpu.memory_space<vmem>> -> memref<128x96xbf16, #tpu.memory_space<vmem>>
    %dma_start3A_28 = arith.constant 0 : i32
    %dma_start3A_29 = tpu.memref_slice %arg5[%dma_start3A_24, %dma_start3A_28] : memref<4x128xi32, #tpu.memory_space<vmem>> -> memref<1x128xi32, #tpu.memory_space<vmem>>
    %dma_start3A_30 = tpu.memref_squeeze %dma_start3A_29 : memref<1x128xi32, #tpu.memory_space<vmem>> -> memref<128xi32, #tpu.memory_space<vmem>>
    %dma_start3A_31 = arith.constant 0 : i32
    %dma_start3A_32 = arith.constant 0 : i32
    %dma_start3A_33 = tpu.memref_slice %arg4[%dma_start3A_31, %dma_start3A_32] : memref<23552x96xbf16, #tpu.memory_space<hbm>> -> memref<23552x96xbf16, #tpu.memory_space<hbm>>
    tpu.enqueue_indirect_dma source(%dma_start3A_27 : memref<128x96xbf16, #tpu.memory_space<vmem>>) target(%dma_start3A_33 : memref<23552x96xbf16, #tpu.memory_space<hbm>>) offsets(%dma_start3A_30 : memref<128xi32, #tpu.memory_space<vmem>>) semaphore(%arg7 : memref<!tpu.dma_semaphore, #tpu.memory_space<semaphore_mem>>)
    %dma_start3A_34 = arith.constant 3 : i32
    %dma_start3A_35 = arith.constant 384 : i32
    %dma_start3A_36 = arith.constant 0 : i32
    %dma_start3A_37 = tpu.memref_slice %arg6[%dma_start3A_35, %dma_start3A_36] : memref<512x96xbf16, #tpu.memory_space<vmem>> -> memref<128x96xbf16, #tpu.memory_space<vmem>>
    %dma_start3A_38 = arith.constant 0 : i32
    %dma_start3A_39 = tpu.memref_slice %arg5[%dma_start3A_34, %dma_start3A_38] : memref<4x128xi32, #tpu.memory_space<vmem>> -> memref<1x128xi32, #tpu.memory_space<vmem>>
    %dma_start3A_40 = tpu.memref_squeeze %dma_start3A_39 : memref<1x128xi32, #tpu.memory_space<vmem>> -> memref<128xi32, #tpu.memory_space<vmem>>
    %dma_start3A_41 = arith.constant 0 : i32
    %dma_start3A_42 = arith.constant 0 : i32
    %dma_start3A_43 = tpu.memref_slice %arg4[%dma_start3A_41, %dma_start3A_42] : memref<23552x96xbf16, #tpu.memory_space<hbm>> -> memref<23552x96xbf16, #tpu.memory_space<hbm>>
    tpu.enqueue_indirect_dma source(%dma_start3A_37 : memref<128x96xbf16, #tpu.memory_space<vmem>>) target(%dma_start3A_43 : memref<23552x96xbf16, #tpu.memory_space<hbm>>) offsets(%dma_start3A_40 : memref<128xi32, #tpu.memory_space<vmem>>) semaphore(%arg7 : memref<!tpu.dma_semaphore, #tpu.memory_space<semaphore_mem>>)
    %dma_wait3A = arith.constant 0 : i32
    %dma_wait3A_44 = arith.constant 0 : i32
    %dma_wait3A_45 = arith.constant 0 : i32
    %dma_wait3A_46 = tpu.memref_slice %arg6[%dma_wait3A_44, %dma_wait3A_45] : memref<512x96xbf16, #tpu.memory_space<vmem>> -> memref<128x96xbf16, #tpu.memory_space<vmem>>
    %dma_wait3A_47 = arith.constant 0 : i32
    %dma_wait3A_48 = tpu.memref_slice %arg5[%dma_wait3A, %dma_wait3A_47] : memref<4x128xi32, #tpu.memory_space<vmem>> -> memref<1x128xi32, #tpu.memory_space<vmem>>
    %dma_wait3A_49 = tpu.memref_squeeze %dma_wait3A_48 : memref<1x128xi32, #tpu.memory_space<vmem>> -> memref<128xi32, #tpu.memory_space<vmem>>
    %dma_wait3A_50 = arith.constant 0 : i32
    %dma_wait3A_51 = arith.constant 0 : i32
    %dma_wait3A_52 = tpu.memref_slice %arg4[%dma_wait3A_50, %dma_wait3A_51] : memref<23552x96xbf16, #tpu.memory_space<hbm>> -> memref<23552x96xbf16, #tpu.memory_space<hbm>>
    tpu.wait_indirect_dma semaphore(%arg7 : memref<!tpu.dma_semaphore, #tpu.memory_space<semaphore_mem>>) src(%dma_wait3A_46 : memref<128x96xbf16, #tpu.memory_space<vmem>>) dst(%dma_wait3A_52 : memref<23552x96xbf16, #tpu.memory_space<hbm>>)
    %dma_wait3A_53 = arith.constant 1 : i32
    %dma_wait3A_54 = arith.constant 128 : i32
    %dma_wait3A_55 = arith.constant 0 : i32
    %dma_wait3A_56 = tpu.memref_slice %arg6[%dma_wait3A_54, %dma_wait3A_55] : memref<512x96xbf16, #tpu.memory_space<vmem>> -> memref<128x96xbf16, #tpu.memory_space<vmem>>
    %dma_wait3A_57 = arith.constant 0 : i32
    %dma_wait3A_58 = tpu.memref_slice %arg5[%dma_wait3A_53, %dma_wait3A_57] : memref<4x128xi32, #tpu.memory_space<vmem>> -> memref<1x128xi32, #tpu.memory_space<vmem>>
    %dma_wait3A_59 = tpu.memref_squeeze %dma_wait3A_58 : memref<1x128xi32, #tpu.memory_space<vmem>> -> memref<128xi32, #tpu.memory_space<vmem>>
    %dma_wait3A_60 = arith.constant 0 : i32
    %dma_wait3A_61 = arith.constant 0 : i32
    %dma_wait3A_62 = tpu.memref_slice %arg4[%dma_wait3A_60, %dma_wait3A_61] : memref<23552x96xbf16, #tpu.memory_space<hbm>> -> memref<23552x96xbf16, #tpu.memory_space<hbm>>
    tpu.wait_indirect_dma semaphore(%arg7 : memref<!tpu.dma_semaphore, #tpu.memory_space<semaphore_mem>>) src(%dma_wait3A_56 : memref<128x96xbf16, #tpu.memory_space<vmem>>) dst(%dma_wait3A_62 : memref<23552x96xbf16, #tpu.memory_space<hbm>>)
    %dma_wait3A_63 = arith.constant 2 : i32
    %dma_wait3A_64 = arith.constant 256 : i32
    %dma_wait3A_65 = arith.constant 0 : i32
    %dma_wait3A_66 = tpu.memref_slice %arg6[%dma_wait3A_64, %dma_wait3A_65] : memref<512x96xbf16, #tpu.memory_space<vmem>> -> memref<128x96xbf16, #tpu.memory_space<vmem>>
    %dma_wait3A_67 = arith.constant 0 : i32
    %dma_wait3A_68 = tpu.memref_slice %arg5[%dma_wait3A_63, %dma_wait3A_67] : memref<4x128xi32, #tpu.memory_space<vmem>> -> memref<1x128xi32, #tpu.memory_space<vmem>>
    %dma_wait3A_69 = tpu.memref_squeeze %dma_wait3A_68 : memref<1x128xi32, #tpu.memory_space<vmem>> -> memref<128xi32, #tpu.memory_space<vmem>>
    %dma_wait3A_70 = arith.constant 0 : i32
    %dma_wait3A_71 = arith.constant 0 : i32
    %dma_wait3A_72 = tpu.memref_slice %arg4[%dma_wait3A_70, %dma_wait3A_71] : memref<23552x96xbf16, #tpu.memory_space<hbm>> -> memref<23552x96xbf16, #tpu.memory_space<hbm>>
    tpu.wait_indirect_dma semaphore(%arg7 : memref<!tpu.dma_semaphore, #tpu.memory_space<semaphore_mem>>) src(%dma_wait3A_66 : memref<128x96xbf16, #tpu.memory_space<vmem>>) dst(%dma_wait3A_72 : memref<23552x96xbf16, #tpu.memory_space<hbm>>)
    %dma_wait3A_73 = arith.constant 3 : i32
    %dma_wait3A_74 = arith.constant 384 : i32
    %dma_wait3A_75 = arith.constant 0 : i32
    %dma_wait3A_76 = tpu.memref_slice %arg6[%dma_wait3A_74, %dma_wait3A_75] : memref<512x96xbf16, #tpu.memory_space<vmem>> -> memref<128x96xbf16, #tpu.memory_space<vmem>>
    %dma_wait3A_77 = arith.constant 0 : i32
    %dma_wait3A_78 = tpu.memref_slice %arg5[%dma_wait3A_73, %dma_wait3A_77] : memref<4x128xi32, #tpu.memory_space<vmem>> -> memref<1x128xi32, #tpu.memory_space<vmem>>
    %dma_wait3A_79 = tpu.memref_squeeze %dma_wait3A_78 : memref<1x128xi32, #tpu.memory_space<vmem>> -> memref<128xi32, #tpu.memory_space<vmem>>
    %dma_wait3A_80 = arith.constant 0 : i32
    %dma_wait3A_81 = arith.constant 0 : i32
    %dma_wait3A_82 = tpu.memref_slice %arg4[%dma_wait3A_80, %dma_wait3A_81] : memref<23552x96xbf16, #tpu.memory_space<hbm>> -> memref<23552x96xbf16, #tpu.memory_space<hbm>>
    tpu.wait_indirect_dma semaphore(%arg7 : memref<!tpu.dma_semaphore, #tpu.memory_space<semaphore_mem>>) src(%dma_wait3A_76 : memref<128x96xbf16, #tpu.memory_space<vmem>>) dst(%dma_wait3A_82 : memref<23552x96xbf16, #tpu.memory_space<hbm>>)
    return
  }
}

#map = affine_map<(d0, d1) -> (0, 0)>
module attributes {stable_mosaic.version = 14 : i64} {
  func.func @_collect_body(%arg0: i32, %arg1: i32, %arg2: memref<23552x16xf32, #tpu.memory_space<hbm>>, %arg3: memref<128x128xi32, #tpu.memory_space<hbm>>, %arg4: memref<16384x16xf32, #tpu.memory_space<hbm>>, %arg5: memref<4x128xi32, #tpu.memory_space<vmem>>, %arg6: memref<512x16xf32, #tpu.memory_space<vmem>>, %arg7: memref<!tpu.dma_semaphore, #tpu.memory_space<semaphore_mem>>) attributes {dimension_semantics = [#tpu.dimension_semantics<core_parallel>, #tpu.dimension_semantics<subcore_parallel>], iteration_bounds = array<i64: 2, 16>, scalar_prefetch = 0 : i64, scratch_operands = 3 : i64, tpu.core_type = #tpu.core_type<sc_vector_subcore>, window_params = [{transform_indices = #map}, {transform_indices = #map}, {transform_indices = #map}]} {
    %mul3A = arith.constant 2 : i32
    %mul3A_0 = arith.muli %arg1, %mul3A : i32
    %add3A = arith.addi %mul3A_0, %arg0 : i32
    %mul3A_1 = arith.constant 512 : i32
    %mul3A_2 = arith.muli %add3A, %mul3A_1 : i32
    %mul3A_3 = arith.constant 4 : i32
    %mul3A_4 = arith.muli %add3A, %mul3A_3 : i32
    "tpu.region"() ({
      %run_scoped3A = tpu.sem_alloc : memref<!tpu.dma_semaphore, #tpu.memory_space<semaphore_mem>>
      %dma_start3A_83 = arith.constant 0 : i32
      %dma_start3A_84 = tpu.memref_slice %arg3[%mul3A_4, %dma_start3A_83] : memref<128x128xi32, #tpu.memory_space<hbm>> -> memref<4x128xi32, #tpu.memory_space<hbm>>
      %dma_start3A_85 = arith.constant 0 : i32
      %dma_start3A_86 = tpu.memref_slice %arg3[%mul3A_4, %dma_start3A_85] : memref<128x128xi32, #tpu.memory_space<hbm>> -> memref<4x128xi32, #tpu.memory_space<hbm>>
      tpu.enqueue_dma source(%dma_start3A_86 : memref<4x128xi32, #tpu.memory_space<hbm>>) target(%arg5 : memref<4x128xi32, #tpu.memory_space<vmem>>) target_semaphore(%run_scoped3A : memref<!tpu.dma_semaphore, #tpu.memory_space<semaphore_mem>>)
      %dma_wait3A_87 = arith.constant 0 : i32
      %dma_wait3A_88 = tpu.memref_slice %arg3[%mul3A_4, %dma_wait3A_87] : memref<128x128xi32, #tpu.memory_space<hbm>> -> memref<4x128xi32, #tpu.memory_space<hbm>>
      %dma_wait3A_89 = arith.constant 0 : i32
      %dma_wait3A_90 = tpu.memref_slice %arg3[%mul3A_4, %dma_wait3A_89] : memref<128x128xi32, #tpu.memory_space<hbm>> -> memref<4x128xi32, #tpu.memory_space<hbm>>
      tpu.wait_dma2 semaphore(%run_scoped3A : memref<!tpu.dma_semaphore, #tpu.memory_space<semaphore_mem>>) src(%dma_wait3A_90 : memref<4x128xi32, #tpu.memory_space<hbm>>) dst(%arg5 : memref<4x128xi32, #tpu.memory_space<vmem>>)
      tpu.yield
    }) : () -> ()
    %dma_start3A = arith.constant 0 : i32
    %dma_start3A_5 = arith.constant 0 : i32
    %dma_start3A_6 = arith.constant 0 : i32
    %dma_start3A_7 = tpu.memref_slice %arg6[%dma_start3A_5, %dma_start3A_6] : memref<512x16xf32, #tpu.memory_space<vmem>> -> memref<128x16xf32, #tpu.memory_space<vmem>>
    %dma_start3A_8 = arith.constant 0 : i32
    %dma_start3A_9 = tpu.memref_slice %arg5[%dma_start3A, %dma_start3A_8] : memref<4x128xi32, #tpu.memory_space<vmem>> -> memref<1x128xi32, #tpu.memory_space<vmem>>
    %dma_start3A_10 = tpu.memref_squeeze %dma_start3A_9 : memref<1x128xi32, #tpu.memory_space<vmem>> -> memref<128xi32, #tpu.memory_space<vmem>>
    %dma_start3A_11 = arith.constant 0 : i32
    %dma_start3A_12 = arith.constant 0 : i32
    %dma_start3A_13 = tpu.memref_slice %arg2[%dma_start3A_11, %dma_start3A_12] : memref<23552x16xf32, #tpu.memory_space<hbm>> -> memref<23552x16xf32, #tpu.memory_space<hbm>>
    tpu.enqueue_indirect_dma source(%dma_start3A_13 : memref<23552x16xf32, #tpu.memory_space<hbm>>) target(%dma_start3A_7 : memref<128x16xf32, #tpu.memory_space<vmem>>) offsets(%dma_start3A_10 : memref<128xi32, #tpu.memory_space<vmem>>) semaphore(%arg7 : memref<!tpu.dma_semaphore, #tpu.memory_space<semaphore_mem>>)
    %dma_start3A_14 = arith.constant 1 : i32
    %dma_start3A_15 = arith.constant 128 : i32
    %dma_start3A_16 = arith.constant 0 : i32
    %dma_start3A_17 = tpu.memref_slice %arg6[%dma_start3A_15, %dma_start3A_16] : memref<512x16xf32, #tpu.memory_space<vmem>> -> memref<128x16xf32, #tpu.memory_space<vmem>>
    %dma_start3A_18 = arith.constant 0 : i32
    %dma_start3A_19 = tpu.memref_slice %arg5[%dma_start3A_14, %dma_start3A_18] : memref<4x128xi32, #tpu.memory_space<vmem>> -> memref<1x128xi32, #tpu.memory_space<vmem>>
    %dma_start3A_20 = tpu.memref_squeeze %dma_start3A_19 : memref<1x128xi32, #tpu.memory_space<vmem>> -> memref<128xi32, #tpu.memory_space<vmem>>
    %dma_start3A_21 = arith.constant 0 : i32
    %dma_start3A_22 = arith.constant 0 : i32
    %dma_start3A_23 = tpu.memref_slice %arg2[%dma_start3A_21, %dma_start3A_22] : memref<23552x16xf32, #tpu.memory_space<hbm>> -> memref<23552x16xf32, #tpu.memory_space<hbm>>
    tpu.enqueue_indirect_dma source(%dma_start3A_23 : memref<23552x16xf32, #tpu.memory_space<hbm>>) target(%dma_start3A_17 : memref<128x16xf32, #tpu.memory_space<vmem>>) offsets(%dma_start3A_20 : memref<128xi32, #tpu.memory_space<vmem>>) semaphore(%arg7 : memref<!tpu.dma_semaphore, #tpu.memory_space<semaphore_mem>>)
    %dma_start3A_24 = arith.constant 2 : i32
    %dma_start3A_25 = arith.constant 256 : i32
    %dma_start3A_26 = arith.constant 0 : i32
    %dma_start3A_27 = tpu.memref_slice %arg6[%dma_start3A_25, %dma_start3A_26] : memref<512x16xf32, #tpu.memory_space<vmem>> -> memref<128x16xf32, #tpu.memory_space<vmem>>
    %dma_start3A_28 = arith.constant 0 : i32
    %dma_start3A_29 = tpu.memref_slice %arg5[%dma_start3A_24, %dma_start3A_28] : memref<4x128xi32, #tpu.memory_space<vmem>> -> memref<1x128xi32, #tpu.memory_space<vmem>>
    %dma_start3A_30 = tpu.memref_squeeze %dma_start3A_29 : memref<1x128xi32, #tpu.memory_space<vmem>> -> memref<128xi32, #tpu.memory_space<vmem>>
    %dma_start3A_31 = arith.constant 0 : i32
    %dma_start3A_32 = arith.constant 0 : i32
    %dma_start3A_33 = tpu.memref_slice %arg2[%dma_start3A_31, %dma_start3A_32] : memref<23552x16xf32, #tpu.memory_space<hbm>> -> memref<23552x16xf32, #tpu.memory_space<hbm>>
    tpu.enqueue_indirect_dma source(%dma_start3A_33 : memref<23552x16xf32, #tpu.memory_space<hbm>>) target(%dma_start3A_27 : memref<128x16xf32, #tpu.memory_space<vmem>>) offsets(%dma_start3A_30 : memref<128xi32, #tpu.memory_space<vmem>>) semaphore(%arg7 : memref<!tpu.dma_semaphore, #tpu.memory_space<semaphore_mem>>)
    %dma_start3A_34 = arith.constant 3 : i32
    %dma_start3A_35 = arith.constant 384 : i32
    %dma_start3A_36 = arith.constant 0 : i32
    %dma_start3A_37 = tpu.memref_slice %arg6[%dma_start3A_35, %dma_start3A_36] : memref<512x16xf32, #tpu.memory_space<vmem>> -> memref<128x16xf32, #tpu.memory_space<vmem>>
    %dma_start3A_38 = arith.constant 0 : i32
    %dma_start3A_39 = tpu.memref_slice %arg5[%dma_start3A_34, %dma_start3A_38] : memref<4x128xi32, #tpu.memory_space<vmem>> -> memref<1x128xi32, #tpu.memory_space<vmem>>
    %dma_start3A_40 = tpu.memref_squeeze %dma_start3A_39 : memref<1x128xi32, #tpu.memory_space<vmem>> -> memref<128xi32, #tpu.memory_space<vmem>>
    %dma_start3A_41 = arith.constant 0 : i32
    %dma_start3A_42 = arith.constant 0 : i32
    %dma_start3A_43 = tpu.memref_slice %arg2[%dma_start3A_41, %dma_start3A_42] : memref<23552x16xf32, #tpu.memory_space<hbm>> -> memref<23552x16xf32, #tpu.memory_space<hbm>>
    tpu.enqueue_indirect_dma source(%dma_start3A_43 : memref<23552x16xf32, #tpu.memory_space<hbm>>) target(%dma_start3A_37 : memref<128x16xf32, #tpu.memory_space<vmem>>) offsets(%dma_start3A_40 : memref<128xi32, #tpu.memory_space<vmem>>) semaphore(%arg7 : memref<!tpu.dma_semaphore, #tpu.memory_space<semaphore_mem>>)
    %dma_wait3A = arith.constant 0 : i32
    %dma_wait3A_44 = arith.constant 0 : i32
    %dma_wait3A_45 = arith.constant 0 : i32
    %dma_wait3A_46 = tpu.memref_slice %arg6[%dma_wait3A_44, %dma_wait3A_45] : memref<512x16xf32, #tpu.memory_space<vmem>> -> memref<128x16xf32, #tpu.memory_space<vmem>>
    %dma_wait3A_47 = arith.constant 0 : i32
    %dma_wait3A_48 = tpu.memref_slice %arg5[%dma_wait3A, %dma_wait3A_47] : memref<4x128xi32, #tpu.memory_space<vmem>> -> memref<1x128xi32, #tpu.memory_space<vmem>>
    %dma_wait3A_49 = tpu.memref_squeeze %dma_wait3A_48 : memref<1x128xi32, #tpu.memory_space<vmem>> -> memref<128xi32, #tpu.memory_space<vmem>>
    %dma_wait3A_50 = arith.constant 0 : i32
    %dma_wait3A_51 = arith.constant 0 : i32
    %dma_wait3A_52 = tpu.memref_slice %arg2[%dma_wait3A_50, %dma_wait3A_51] : memref<23552x16xf32, #tpu.memory_space<hbm>> -> memref<23552x16xf32, #tpu.memory_space<hbm>>
    tpu.wait_indirect_dma semaphore(%arg7 : memref<!tpu.dma_semaphore, #tpu.memory_space<semaphore_mem>>) src(%dma_wait3A_52 : memref<23552x16xf32, #tpu.memory_space<hbm>>) dst(%dma_wait3A_46 : memref<128x16xf32, #tpu.memory_space<vmem>>)
    %dma_wait3A_53 = arith.constant 1 : i32
    %dma_wait3A_54 = arith.constant 128 : i32
    %dma_wait3A_55 = arith.constant 0 : i32
    %dma_wait3A_56 = tpu.memref_slice %arg6[%dma_wait3A_54, %dma_wait3A_55] : memref<512x16xf32, #tpu.memory_space<vmem>> -> memref<128x16xf32, #tpu.memory_space<vmem>>
    %dma_wait3A_57 = arith.constant 0 : i32
    %dma_wait3A_58 = tpu.memref_slice %arg5[%dma_wait3A_53, %dma_wait3A_57] : memref<4x128xi32, #tpu.memory_space<vmem>> -> memref<1x128xi32, #tpu.memory_space<vmem>>
    %dma_wait3A_59 = tpu.memref_squeeze %dma_wait3A_58 : memref<1x128xi32, #tpu.memory_space<vmem>> -> memref<128xi32, #tpu.memory_space<vmem>>
    %dma_wait3A_60 = arith.constant 0 : i32
    %dma_wait3A_61 = arith.constant 0 : i32
    %dma_wait3A_62 = tpu.memref_slice %arg2[%dma_wait3A_60, %dma_wait3A_61] : memref<23552x16xf32, #tpu.memory_space<hbm>> -> memref<23552x16xf32, #tpu.memory_space<hbm>>
    tpu.wait_indirect_dma semaphore(%arg7 : memref<!tpu.dma_semaphore, #tpu.memory_space<semaphore_mem>>) src(%dma_wait3A_62 : memref<23552x16xf32, #tpu.memory_space<hbm>>) dst(%dma_wait3A_56 : memref<128x16xf32, #tpu.memory_space<vmem>>)
    %dma_wait3A_63 = arith.constant 2 : i32
    %dma_wait3A_64 = arith.constant 256 : i32
    %dma_wait3A_65 = arith.constant 0 : i32
    %dma_wait3A_66 = tpu.memref_slice %arg6[%dma_wait3A_64, %dma_wait3A_65] : memref<512x16xf32, #tpu.memory_space<vmem>> -> memref<128x16xf32, #tpu.memory_space<vmem>>
    %dma_wait3A_67 = arith.constant 0 : i32
    %dma_wait3A_68 = tpu.memref_slice %arg5[%dma_wait3A_63, %dma_wait3A_67] : memref<4x128xi32, #tpu.memory_space<vmem>> -> memref<1x128xi32, #tpu.memory_space<vmem>>
    %dma_wait3A_69 = tpu.memref_squeeze %dma_wait3A_68 : memref<1x128xi32, #tpu.memory_space<vmem>> -> memref<128xi32, #tpu.memory_space<vmem>>
    %dma_wait3A_70 = arith.constant 0 : i32
    %dma_wait3A_71 = arith.constant 0 : i32
    %dma_wait3A_72 = tpu.memref_slice %arg2[%dma_wait3A_70, %dma_wait3A_71] : memref<23552x16xf32, #tpu.memory_space<hbm>> -> memref<23552x16xf32, #tpu.memory_space<hbm>>
    tpu.wait_indirect_dma semaphore(%arg7 : memref<!tpu.dma_semaphore, #tpu.memory_space<semaphore_mem>>) src(%dma_wait3A_72 : memref<23552x16xf32, #tpu.memory_space<hbm>>) dst(%dma_wait3A_66 : memref<128x16xf32, #tpu.memory_space<vmem>>)
    %dma_wait3A_73 = arith.constant 3 : i32
    %dma_wait3A_74 = arith.constant 384 : i32
    %dma_wait3A_75 = arith.constant 0 : i32
    %dma_wait3A_76 = tpu.memref_slice %arg6[%dma_wait3A_74, %dma_wait3A_75] : memref<512x16xf32, #tpu.memory_space<vmem>> -> memref<128x16xf32, #tpu.memory_space<vmem>>
    %dma_wait3A_77 = arith.constant 0 : i32
    %dma_wait3A_78 = tpu.memref_slice %arg5[%dma_wait3A_73, %dma_wait3A_77] : memref<4x128xi32, #tpu.memory_space<vmem>> -> memref<1x128xi32, #tpu.memory_space<vmem>>
    %dma_wait3A_79 = tpu.memref_squeeze %dma_wait3A_78 : memref<1x128xi32, #tpu.memory_space<vmem>> -> memref<128xi32, #tpu.memory_space<vmem>>
    %dma_wait3A_80 = arith.constant 0 : i32
    %dma_wait3A_81 = arith.constant 0 : i32
    %dma_wait3A_82 = tpu.memref_slice %arg2[%dma_wait3A_80, %dma_wait3A_81] : memref<23552x16xf32, #tpu.memory_space<hbm>> -> memref<23552x16xf32, #tpu.memory_space<hbm>>
    tpu.wait_indirect_dma semaphore(%arg7 : memref<!tpu.dma_semaphore, #tpu.memory_space<semaphore_mem>>) src(%dma_wait3A_82 : memref<23552x16xf32, #tpu.memory_space<hbm>>) dst(%dma_wait3A_76 : memref<128x16xf32, #tpu.memory_space<vmem>>)
    "tpu.region"() ({
      %run_scoped3A = tpu.sem_alloc : memref<!tpu.dma_semaphore, #tpu.memory_space<semaphore_mem>>
      %dma_start3A_83 = arith.constant 0 : i32
      %dma_start3A_84 = tpu.memref_slice %arg4[%mul3A_2, %dma_start3A_83] : memref<16384x16xf32, #tpu.memory_space<hbm>> -> memref<512x16xf32, #tpu.memory_space<hbm>>
      %dma_start3A_85 = arith.constant 0 : i32
      %dma_start3A_86 = tpu.memref_slice %arg4[%mul3A_2, %dma_start3A_85] : memref<16384x16xf32, #tpu.memory_space<hbm>> -> memref<512x16xf32, #tpu.memory_space<hbm>>
      tpu.enqueue_dma source(%arg6 : memref<512x16xf32, #tpu.memory_space<vmem>>) target(%dma_start3A_86 : memref<512x16xf32, #tpu.memory_space<hbm>>) target_semaphore(%run_scoped3A : memref<!tpu.dma_semaphore, #tpu.memory_space<semaphore_mem>>)
      %dma_wait3A_87 = arith.constant 0 : i32
      %dma_wait3A_88 = tpu.memref_slice %arg4[%mul3A_2, %dma_wait3A_87] : memref<16384x16xf32, #tpu.memory_space<hbm>> -> memref<512x16xf32, #tpu.memory_space<hbm>>
      %dma_wait3A_89 = arith.constant 0 : i32
      %dma_wait3A_90 = tpu.memref_slice %arg4[%mul3A_2, %dma_wait3A_89] : memref<16384x16xf32, #tpu.memory_space<hbm>> -> memref<512x16xf32, #tpu.memory_space<hbm>>
      tpu.wait_dma2 semaphore(%run_scoped3A : memref<!tpu.dma_semaphore, #tpu.memory_space<semaphore_mem>>) src(%arg6 : memref<512x16xf32, #tpu.memory_space<vmem>>) dst(%dma_wait3A_90 : memref<512x16xf32, #tpu.memory_space<hbm>>)
      tpu.yield
    }) : () -> ()
    return
  }
}

module attributes {stable_mosaic.version = 14 : i64} {
  func.func @_prep_cols_body(%arg0: memref<3x16384xf32, #tpu.memory_space<vmem>>, %arg1: memref<8x16384xf32, #tpu.memory_space<vmem>>, %arg2: memref<8x16384xi32, #tpu.memory_space<vmem>>, %arg3: memref<8x128x128xf32, #tpu.memory_space<vmem>>, %arg4: memref<24x80xf32, #tpu.memory_space<vmem>>, %arg5: memref<8x1xf32, #tpu.memory_space<vmem>>, %arg6: memref<96x16384xbf16, #tpu.memory_space<vmem>>, %arg7: memref<128x128xi32, #tpu.memory_space<vmem>>, %arg8: memref<8xi32, #tpu.memory_space<smem>>) attributes {dimension_semantics = [], scalar_prefetch = 0 : i64, scratch_operands = 0 : i64, tpu.core_type = #tpu.core_type<tc>} {
    %get3A = arith.constant 0 : index
    %get3A_0 = arith.constant 0 : index
    %get3A_1 = vector.load %arg0[%get3A, %get3A_0] : memref<3x16384xf32, #tpu.memory_space<vmem>>, vector<3x16384xf32>
    %get3A_2 = arith.constant 0 : index
    %get3A_3 = arith.constant 0 : index
    %get3A_4 = vector.load %arg1[%get3A_2, %get3A_3] : memref<8x16384xf32, #tpu.memory_space<vmem>>, vector<8x16384xf32>
    %get3A_5 = arith.constant 0 : index
    %get3A_6 = arith.constant 0 : index
    %get3A_7 = vector.load %arg2[%get3A_5, %get3A_6] : memref<8x16384xi32, #tpu.memory_space<vmem>>, vector<8x16384xi32>
    %iota3A = tpu.iota {dimensions = array<i32: 0>} : vector<8x16384xi32>
    %reduce_min3A = arith.constant dense<0x7F800000> : vector<16384xf32>
    %reduce_min3A_8 = vector.multi_reduction <minimumf>, %get3A_4, %reduce_min3A [0] : vector<8x16384xf32> to vector<16384xf32>
    %broadcast_in_dim3A = vector.shape_cast %reduce_min3A_8 : vector<16384xf32> to vector<1x16384xf32>
    %eq3A = vector.broadcast %broadcast_in_dim3A : vector<1x16384xf32> to vector<8x16384xf32>
    %eq3A_9 = arith.cmpf oeq, %get3A_4, %eq3A : vector<8x16384xf32>
    %jit3A = arith.constant 8 : i32
    %broadcast_in_dim3A_10 = vector.broadcast %jit3A : i32 to vector<8x16384xi32>
    %select_n3A = arith.select %eq3A_9, %iota3A, %broadcast_in_dim3A_10 : vector<8x16384xi1>, vector<8x16384xi32>
    %reduce_min3A_11 = arith.constant dense<2147483647> : vector<16384xi32>
    %reduce_min3A_12 = vector.multi_reduction <minsi>, %select_n3A, %reduce_min3A_11 [0] : vector<8x16384xi32> to vector<16384xi32>
    %broadcast_in_dim3A_13 = vector.shape_cast %reduce_min3A_12 : vector<16384xi32> to vector<1x16384xi32>
    %eq3A_14 = vector.broadcast %broadcast_in_dim3A_13 : vector<1x16384xi32> to vector<8x16384xi32>
    %eq3A_15 = arith.cmpi eq, %iota3A, %eq3A_14 : vector<8x16384xi32>
    %convert_element_type3A = arith.extui %eq3A_15 : vector<8x16384xi1> to vector<8x16384xi32>
    %convert_element_type3A_16 = arith.sitofp %convert_element_type3A : vector<8x16384xi32> to vector<8x16384xf32>
    %get3A_17 = arith.constant 0 : index
    %get3A_18 = arith.constant 0 : index
    %get3A_19 = vector.load %arg5[%get3A_17, %get3A_18] : memref<8x1xf32, #tpu.memory_space<vmem>>, vector<8x1xf32>
    %mul3A = vector.broadcast %get3A_19 : vector<8x1xf32> to vector<8x16384xf32>
    %mul3A_20 = arith.mulf %convert_element_type3A_16, %mul3A : vector<8x16384xf32>
    %reduce_sum3A = arith.constant dense<0.000000e+00> : vector<16384xf32>
    %reduce_sum3A_21 = vector.multi_reduction <add>, %mul3A_20, %reduce_sum3A [0] : vector<8x16384xf32> to vector<16384xf32>
    %broadcast_in_dim3A_22 = vector.shape_cast %reduce_sum3A_21 : vector<16384xf32> to vector<1x16384xf32>
    %neg3A = arith.constant 0.000000e+00 : f32
    %neg3A_23 = vector.broadcast %neg3A : f32 to vector<1x16384xf32>
    %neg3A_24 = arith.subf %neg3A_23, %broadcast_in_dim3A_22 : vector<1x16384xf32>
    %mul3A_25 = vector.broadcast %neg3A_24 : vector<1x16384xf32> to vector<8x16384xf32>
    %mul3A_26 = arith.mulf %mul3A_25, %get3A_4 : vector<8x16384xf32>
    %exp3A = math.exp %mul3A_26 : vector<8x16384xf32>
    %mul3A_27 = vector.broadcast %broadcast_in_dim3A_22 : vector<1x16384xf32> to vector<8x16384xf32>
    %mul3A_28 = arith.mulf %mul3A_27, %exp3A : vector<8x16384xf32>
    %reduce_max3A = arith.constant dense<0xFF800000> : vector<16384xf32>
    %reduce_max3A_29 = vector.multi_reduction <maximumf>, %mul3A_28, %reduce_max3A [0] : vector<8x16384xf32> to vector<16384xf32>
    %broadcast_in_dim3A_30 = vector.shape_cast %reduce_max3A_29 : vector<16384xf32> to vector<1x16384xf32>
    %sub3A = vector.broadcast %broadcast_in_dim3A_30 : vector<1x16384xf32> to vector<8x16384xf32>
    %sub3A_31 = arith.subf %mul3A_28, %sub3A : vector<8x16384xf32>
    %exp3A_32 = math.exp %sub3A_31 : vector<8x16384xf32>
    %reduce_sum3A_33 = arith.constant dense<0.000000e+00> : vector<16384xf32>
    %reduce_sum3A_34 = vector.multi_reduction <add>, %exp3A_32, %reduce_sum3A_33 [0] : vector<8x16384xf32> to vector<16384xf32>
    %broadcast_in_dim3A_35 = vector.shape_cast %reduce_sum3A_34 : vector<16384xf32> to vector<1x16384xf32>
    %div3A = vector.broadcast %broadcast_in_dim3A_35 : vector<1x16384xf32> to vector<8x16384xf32>
    %div3A_36 = arith.divf %exp3A_32, %div3A : vector<8x16384xf32>
    %iota3A_37 = tpu.iota {dimensions = array<i32: 0>} : vector<32x3xi32>
    %iota3A_38 = tpu.iota {dimensions = array<i32: 1>} : vector<32x3xi32>
    %jit3A_39 = arith.constant 3 : i32
    %eq3A_40 = arith.constant 0 : i32
    %eq3A_41 = arith.cmpi eq, %jit3A_39, %eq3A_40 : i32
    %jit3A_42 = arith.constant 1 : i32
    %select_n3A_43 = arith.select %eq3A_41, %jit3A_42, %jit3A_39 : i32
    %rem3A = vector.broadcast %select_n3A_43 : i32 to vector<32x3xi32>
    %rem3A_44 = arith.remsi %iota3A_37, %rem3A : vector<32x3xi32>
    %ne3A = arith.constant 0 : i32
    %ne3A_45 = vector.broadcast %ne3A : i32 to vector<32x3xi32>
    %ne3A_46 = arith.cmpi ne, %rem3A_44, %ne3A_45 : vector<32x3xi32>
    %lt3A = arith.constant 0 : i32
    %lt3A_47 = vector.broadcast %lt3A : i32 to vector<32x3xi32>
    %lt3A_48 = arith.cmpi slt, %rem3A_44, %lt3A_47 : vector<32x3xi32>
    %lt3A_49 = arith.constant 0 : i32
    %lt3A_50 = arith.cmpi slt, %select_n3A_43, %lt3A_49 : i32
    %ne3A_51 = vector.broadcast %lt3A_50 : i1 to vector<32x3xi1>
    %ne3A_52 = vector.broadcast %ne3A_51 : vector<32x3xi1> to vector<32x3xi1>
    %ne3A_53 = arith.xori %lt3A_48, %ne3A_52 : vector<32x3xi1>
    %and3A = arith.andi %ne3A_53, %ne3A_46 : vector<32x3xi1>
    %add3A = vector.broadcast %select_n3A_43 : i32 to vector<32x3xi32>
    %add3A_54 = arith.addi %rem3A_44, %add3A : vector<32x3xi32>
    %select_n3A_55 = arith.select %and3A, %add3A_54, %rem3A_44 : vector<32x3xi1>, vector<32x3xi32>
    %eq3A_56 = arith.cmpi eq, %select_n3A_55, %iota3A_38 : vector<32x3xi32>
    %lt3A_57 = arith.constant 30 : i32
    %lt3A_58 = vector.broadcast %lt3A_57 : i32 to vector<32x3xi32>
    %lt3A_59 = arith.cmpi slt, %iota3A_37, %lt3A_58 : vector<32x3xi32>
    %and3A_60 = arith.andi %eq3A_56, %lt3A_59 : vector<32x3xi1>
    %convert_element_type3A_61 = arith.extui %and3A_60 : vector<32x3xi1> to vector<32x3xi32>
    %convert_element_type3A_62 = arith.sitofp %convert_element_type3A_61 : vector<32x3xi32> to vector<32x3xf32>
    %iota3A_63 = tpu.iota {dimensions = array<i32: 0>} : vector<32x1xi32>
    %jit3A_64 = arith.constant 3 : i32
    %div3A_65 = vector.broadcast %jit3A_64 : i32 to vector<32x1xi32>
    %div3A_66 = arith.divsi %iota3A_63, %div3A_65 : vector<32x1xi32>
    %sign3A = arith.constant 0 : i32
    %sign3A_67 = vector.broadcast %sign3A : i32 to vector<32x1xi32>
    %sign3A_68 = arith.cmpi sgt, %iota3A_63, %sign3A_67 : vector<32x1xi32>
    %sign3A_69 = arith.extui %sign3A_68 : vector<32x1xi1> to vector<32x1xi32>
    %sign3A_70 = arith.constant 0 : i32
    %sign3A_71 = vector.broadcast %sign3A_70 : i32 to vector<32x1xi32>
    %sign3A_72 = arith.cmpi slt, %iota3A_63, %sign3A_71 : vector<32x1xi32>
    %sign3A_73 = arith.extui %sign3A_72 : vector<32x1xi1> to vector<32x1xi32>
    %sign3A_74 = arith.subi %sign3A_69, %sign3A_73 : vector<32x1xi32>
    %sign3A_75 = arith.constant 0 : i32
    %sign3A_76 = arith.cmpi sgt, %jit3A_64, %sign3A_75 : i32
    %sign3A_77 = arith.extui %sign3A_76 : i1 to i32
    %sign3A_78 = arith.constant 0 : i32
    %sign3A_79 = arith.cmpi slt, %jit3A_64, %sign3A_78 : i32
    %sign3A_80 = arith.extui %sign3A_79 : i1 to i32
    %sign3A_81 = arith.subi %sign3A_77, %sign3A_80 : i32
    %ne3A_82 = vector.broadcast %sign3A_81 : i32 to vector<32x1xi32>
    %ne3A_83 = arith.cmpi ne, %sign3A_74, %ne3A_82 : vector<32x1xi32>
    %rem3A_84 = vector.broadcast %jit3A_64 : i32 to vector<32x1xi32>
    %rem3A_85 = arith.remsi %iota3A_63, %rem3A_84 : vector<32x1xi32>
    %ne3A_86 = arith.constant 0 : i32
    %ne3A_87 = vector.broadcast %ne3A_86 : i32 to vector<32x1xi32>
    %ne3A_88 = arith.cmpi ne, %rem3A_85, %ne3A_87 : vector<32x1xi32>
    %and3A_89 = arith.andi %ne3A_83, %ne3A_88 : vector<32x1xi1>
    %sub3A_90 = arith.constant 1 : i32
    %sub3A_91 = vector.broadcast %sub3A_90 : i32 to vector<32x1xi32>
    %sub3A_92 = arith.subi %div3A_66, %sub3A_91 : vector<32x1xi32>
    %select_n3A_93 = arith.select %and3A_89, %sub3A_92, %div3A_66 : vector<32x1xi1>, vector<32x1xi32>
    %convert_element_type3A_94 = arith.sitofp %select_n3A_93 : vector<32x1xi32> to vector<32x1xf32>
    %exp23A = math.exp2 %convert_element_type3A_94 : vector<32x1xf32>
    %dot_general3A = arith.constant dense<0.000000e+00> : vector<32x16384xf32>
    %dot_general3A_95 = tpu.matmul %convert_element_type3A_62, %get3A_1, %dot_general3A {dimension_numbers = #tpu.dot_dimension_numbers<[1], [0], [0], [1], [0, 0, 1, 1], [], []>, precision = #tpu.contract_precision<fp32>, transpose_lhs_hint = false} : vector<32x3xf32>, vector<3x16384xf32>, vector<32x16384xf32> -> vector<32x16384xf32>
    %mul3A_96 = vector.broadcast %exp23A : vector<32x1xf32> to vector<32x16384xf32>
    %mul3A_97 = arith.mulf %dot_general3A_95, %mul3A_96 : vector<32x16384xf32>
    %broadcast_in_dim3A_98 = arith.constant 0.000000e+00 : f32
    %broadcast_in_dim3A_99 = vector.broadcast %broadcast_in_dim3A_98 : f32 to vector<8x16384xf32>
    %broadcast_in_dim3A_100 = arith.constant 0.000000e+00 : f32
    %broadcast_in_dim3A_101 = vector.broadcast %broadcast_in_dim3A_100 : f32 to vector<5x16384xf32>
    %sin3A = math.sin %mul3A_97 : vector<32x16384xf32>
    %cos3A = math.cos %mul3A_97 : vector<32x16384xf32>
    %concatenate3A = tpu.concatenate %broadcast_in_dim3A_99, %get3A_1, %broadcast_in_dim3A_101, %sin3A, %cos3A in 0 : vector<8x16384xf32>, vector<3x16384xf32>, vector<5x16384xf32>, vector<32x16384xf32>, vector<32x16384xf32> -> vector<80x16384xf32>
    %get3A_102 = arith.constant 0 : index
    %get3A_103 = arith.constant 0 : index
    %get3A_104 = vector.load %arg4[%get3A_102, %get3A_103] : memref<24x80xf32, #tpu.memory_space<vmem>>, vector<24x80xf32>
    %dot_general3A_105 = arith.constant dense<0.000000e+00> : vector<24x16384xf32>
    %dot_general3A_106 = tpu.matmul %get3A_104, %concatenate3A, %dot_general3A_105 {dimension_numbers = #tpu.dot_dimension_numbers<[1], [0], [0], [1], [0, 0, 1, 1], [], []>, transpose_lhs_hint = false} : vector<24x80xf32>, vector<80x16384xf32>, vector<24x16384xf32> -> vector<24x16384xf32>
    %eq3A_107 = arith.constant 0 : i32
    %eq3A_108 = vector.broadcast %eq3A_107 : i32 to vector<8x16384xi32>
    %eq3A_109 = arith.cmpi eq, %get3A_7, %eq3A_108 : vector<8x16384xi32>
    %convert_element_type3A_110 = arith.extui %eq3A_109 : vector<8x16384xi1> to vector<8x16384xi32>
    %convert_element_type3A_111 = arith.sitofp %convert_element_type3A_110 : vector<8x16384xi32> to vector<8x16384xf32>
    %mul3A_112 = arith.mulf %div3A_36, %convert_element_type3A_111 : vector<8x16384xf32>
    %reduce_sum3A_113 = arith.constant dense<0.000000e+00> : vector<16384xf32>
    %reduce_sum3A_114 = vector.multi_reduction <add>, %mul3A_112, %reduce_sum3A_113 [0] : vector<8x16384xf32> to vector<16384xf32>
    %broadcast_in_dim3A_115 = vector.shape_cast %reduce_sum3A_114 : vector<16384xf32> to vector<1x16384xf32>
    %eq3A_116 = arith.constant 1 : i32
    %eq3A_117 = vector.broadcast %eq3A_116 : i32 to vector<8x16384xi32>
    %eq3A_118 = arith.cmpi eq, %get3A_7, %eq3A_117 : vector<8x16384xi32>
    %convert_element_type3A_119 = arith.extui %eq3A_118 : vector<8x16384xi1> to vector<8x16384xi32>
    %convert_element_type3A_120 = arith.sitofp %convert_element_type3A_119 : vector<8x16384xi32> to vector<8x16384xf32>
    %mul3A_121 = arith.mulf %div3A_36, %convert_element_type3A_120 : vector<8x16384xf32>
    %reduce_sum3A_122 = arith.constant dense<0.000000e+00> : vector<16384xf32>
    %reduce_sum3A_123 = vector.multi_reduction <add>, %mul3A_121, %reduce_sum3A_122 [0] : vector<8x16384xf32> to vector<16384xf32>
    %broadcast_in_dim3A_124 = vector.shape_cast %reduce_sum3A_123 : vector<16384xf32> to vector<1x16384xf32>
    %eq3A_125 = arith.constant 2 : i32
    %eq3A_126 = vector.broadcast %eq3A_125 : i32 to vector<8x16384xi32>
    %eq3A_127 = arith.cmpi eq, %get3A_7, %eq3A_126 : vector<8x16384xi32>
    %convert_element_type3A_128 = arith.extui %eq3A_127 : vector<8x16384xi1> to vector<8x16384xi32>
    %convert_element_type3A_129 = arith.sitofp %convert_element_type3A_128 : vector<8x16384xi32> to vector<8x16384xf32>
    %mul3A_130 = arith.mulf %div3A_36, %convert_element_type3A_129 : vector<8x16384xf32>
    %reduce_sum3A_131 = arith.constant dense<0.000000e+00> : vector<16384xf32>
    %reduce_sum3A_132 = vector.multi_reduction <add>, %mul3A_130, %reduce_sum3A_131 [0] : vector<8x16384xf32> to vector<16384xf32>
    %broadcast_in_dim3A_133 = vector.shape_cast %reduce_sum3A_132 : vector<16384xf32> to vector<1x16384xf32>
    %eq3A_134 = arith.constant 3 : i32
    %eq3A_135 = vector.broadcast %eq3A_134 : i32 to vector<8x16384xi32>
    %eq3A_136 = arith.cmpi eq, %get3A_7, %eq3A_135 : vector<8x16384xi32>
    %convert_element_type3A_137 = arith.extui %eq3A_136 : vector<8x16384xi1> to vector<8x16384xi32>
    %convert_element_type3A_138 = arith.sitofp %convert_element_type3A_137 : vector<8x16384xi32> to vector<8x16384xf32>
    %mul3A_139 = arith.mulf %div3A_36, %convert_element_type3A_138 : vector<8x16384xf32>
    %reduce_sum3A_140 = arith.constant dense<0.000000e+00> : vector<16384xf32>
    %reduce_sum3A_141 = vector.multi_reduction <add>, %mul3A_139, %reduce_sum3A_140 [0] : vector<8x16384xf32> to vector<16384xf32>
    %broadcast_in_dim3A_142 = vector.shape_cast %reduce_sum3A_141 : vector<16384xf32> to vector<1x16384xf32>
    %eq3A_143 = arith.constant 4 : i32
    %eq3A_144 = vector.broadcast %eq3A_143 : i32 to vector<8x16384xi32>
    %eq3A_145 = arith.cmpi eq, %get3A_7, %eq3A_144 : vector<8x16384xi32>
    %convert_element_type3A_146 = arith.extui %eq3A_145 : vector<8x16384xi1> to vector<8x16384xi32>
    %convert_element_type3A_147 = arith.sitofp %convert_element_type3A_146 : vector<8x16384xi32> to vector<8x16384xf32>
    %mul3A_148 = arith.mulf %div3A_36, %convert_element_type3A_147 : vector<8x16384xf32>
    %reduce_sum3A_149 = arith.constant dense<0.000000e+00> : vector<16384xf32>
    %reduce_sum3A_150 = vector.multi_reduction <add>, %mul3A_148, %reduce_sum3A_149 [0] : vector<8x16384xf32> to vector<16384xf32>
    %broadcast_in_dim3A_151 = vector.shape_cast %reduce_sum3A_150 : vector<16384xf32> to vector<1x16384xf32>
    %eq3A_152 = arith.constant 5 : i32
    %eq3A_153 = vector.broadcast %eq3A_152 : i32 to vector<8x16384xi32>
    %eq3A_154 = arith.cmpi eq, %get3A_7, %eq3A_153 : vector<8x16384xi32>
    %convert_element_type3A_155 = arith.extui %eq3A_154 : vector<8x16384xi1> to vector<8x16384xi32>
    %convert_element_type3A_156 = arith.sitofp %convert_element_type3A_155 : vector<8x16384xi32> to vector<8x16384xf32>
    %mul3A_157 = arith.mulf %div3A_36, %convert_element_type3A_156 : vector<8x16384xf32>
    %reduce_sum3A_158 = arith.constant dense<0.000000e+00> : vector<16384xf32>
    %reduce_sum3A_159 = vector.multi_reduction <add>, %mul3A_157, %reduce_sum3A_158 [0] : vector<8x16384xf32> to vector<16384xf32>
    %broadcast_in_dim3A_160 = vector.shape_cast %reduce_sum3A_159 : vector<16384xf32> to vector<1x16384xf32>
    %eq3A_161 = arith.constant 6 : i32
    %eq3A_162 = vector.broadcast %eq3A_161 : i32 to vector<8x16384xi32>
    %eq3A_163 = arith.cmpi eq, %get3A_7, %eq3A_162 : vector<8x16384xi32>
    %convert_element_type3A_164 = arith.extui %eq3A_163 : vector<8x16384xi1> to vector<8x16384xi32>
    %convert_element_type3A_165 = arith.sitofp %convert_element_type3A_164 : vector<8x16384xi32> to vector<8x16384xf32>
    %mul3A_166 = arith.mulf %div3A_36, %convert_element_type3A_165 : vector<8x16384xf32>
    %reduce_sum3A_167 = arith.constant dense<0.000000e+00> : vector<16384xf32>
    %reduce_sum3A_168 = vector.multi_reduction <add>, %mul3A_166, %reduce_sum3A_167 [0] : vector<8x16384xf32> to vector<16384xf32>
    %broadcast_in_dim3A_169 = vector.shape_cast %reduce_sum3A_168 : vector<16384xf32> to vector<1x16384xf32>
    %eq3A_170 = arith.constant 7 : i32
    %eq3A_171 = vector.broadcast %eq3A_170 : i32 to vector<8x16384xi32>
    %eq3A_172 = arith.cmpi eq, %get3A_7, %eq3A_171 : vector<8x16384xi32>
    %convert_element_type3A_173 = arith.extui %eq3A_172 : vector<8x16384xi1> to vector<8x16384xi32>
    %convert_element_type3A_174 = arith.sitofp %convert_element_type3A_173 : vector<8x16384xi32> to vector<8x16384xf32>
    %mul3A_175 = arith.mulf %div3A_36, %convert_element_type3A_174 : vector<8x16384xf32>
    %reduce_sum3A_176 = arith.constant dense<0.000000e+00> : vector<16384xf32>
    %reduce_sum3A_177 = vector.multi_reduction <add>, %mul3A_175, %reduce_sum3A_176 [0] : vector<8x16384xf32> to vector<16384xf32>
    %broadcast_in_dim3A_178 = vector.shape_cast %reduce_sum3A_177 : vector<16384xf32> to vector<1x16384xf32>
    %concatenate3A_179 = tpu.concatenate %broadcast_in_dim3A_115, %broadcast_in_dim3A_124, %broadcast_in_dim3A_133, %broadcast_in_dim3A_142, %broadcast_in_dim3A_151, %broadcast_in_dim3A_160, %broadcast_in_dim3A_169, %broadcast_in_dim3A_178 in 0 : vector<1x16384xf32>, vector<1x16384xf32>, vector<1x16384xf32>, vector<1x16384xf32>, vector<1x16384xf32>, vector<1x16384xf32>, vector<1x16384xf32>, vector<1x16384xf32> -> vector<8x16384xf32>
    %iota3A_180 = tpu.iota {dimensions = array<i32: 0>} : vector<24x8xi32>
    %iota3A_181 = tpu.iota {dimensions = array<i32: 1>} : vector<24x8xi32>
    %jit3A_182 = arith.constant 3 : i32
    %div3A_183 = vector.broadcast %jit3A_182 : i32 to vector<24x8xi32>
    %div3A_184 = arith.divsi %iota3A_180, %div3A_183 : vector<24x8xi32>
    %sign3A_185 = arith.constant 0 : i32
    %sign3A_186 = vector.broadcast %sign3A_185 : i32 to vector<24x8xi32>
    %sign3A_187 = arith.cmpi sgt, %iota3A_180, %sign3A_186 : vector<24x8xi32>
    %sign3A_188 = arith.extui %sign3A_187 : vector<24x8xi1> to vector<24x8xi32>
    %sign3A_189 = arith.constant 0 : i32
    %sign3A_190 = vector.broadcast %sign3A_189 : i32 to vector<24x8xi32>
    %sign3A_191 = arith.cmpi slt, %iota3A_180, %sign3A_190 : vector<24x8xi32>
    %sign3A_192 = arith.extui %sign3A_191 : vector<24x8xi1> to vector<24x8xi32>
    %sign3A_193 = arith.subi %sign3A_188, %sign3A_192 : vector<24x8xi32>
    %sign3A_194 = arith.constant 0 : i32
    %sign3A_195 = arith.cmpi sgt, %jit3A_182, %sign3A_194 : i32
    %sign3A_196 = arith.extui %sign3A_195 : i1 to i32
    %sign3A_197 = arith.constant 0 : i32
    %sign3A_198 = arith.cmpi slt, %jit3A_182, %sign3A_197 : i32
    %sign3A_199 = arith.extui %sign3A_198 : i1 to i32
    %sign3A_200 = arith.subi %sign3A_196, %sign3A_199 : i32
    %ne3A_201 = vector.broadcast %sign3A_200 : i32 to vector<24x8xi32>
    %ne3A_202 = arith.cmpi ne, %sign3A_193, %ne3A_201 : vector<24x8xi32>
    %rem3A_203 = vector.broadcast %jit3A_182 : i32 to vector<24x8xi32>
    %rem3A_204 = arith.remsi %iota3A_180, %rem3A_203 : vector<24x8xi32>
    %ne3A_205 = arith.constant 0 : i32
    %ne3A_206 = vector.broadcast %ne3A_205 : i32 to vector<24x8xi32>
    %ne3A_207 = arith.cmpi ne, %rem3A_204, %ne3A_206 : vector<24x8xi32>
    %and3A_208 = arith.andi %ne3A_202, %ne3A_207 : vector<24x8xi1>
    %sub3A_209 = arith.constant 1 : i32
    %sub3A_210 = vector.broadcast %sub3A_209 : i32 to vector<24x8xi32>
    %sub3A_211 = arith.subi %div3A_184, %sub3A_210 : vector<24x8xi32>
    %select_n3A_212 = arith.select %and3A_208, %sub3A_211, %div3A_184 : vector<24x8xi1>, vector<24x8xi32>
    %eq3A_213 = arith.cmpi eq, %select_n3A_212, %iota3A_181 : vector<24x8xi32>
    %convert_element_type3A_214 = arith.extui %eq3A_213 : vector<24x8xi1> to vector<24x8xi32>
    %convert_element_type3A_215 = arith.sitofp %convert_element_type3A_214 : vector<24x8xi32> to vector<24x8xf32>
    %dot_general3A_216 = arith.constant dense<0.000000e+00> : vector<24x16384xf32>
    %dot_general3A_217 = tpu.matmul %convert_element_type3A_215, %concatenate3A_179, %dot_general3A_216 {dimension_numbers = #tpu.dot_dimension_numbers<[1], [0], [0], [1], [0, 0, 1, 1], [], []>, transpose_lhs_hint = false} : vector<24x8xf32>, vector<8x16384xf32>, vector<24x16384xf32> -> vector<24x16384xf32>
    %mul3A_218 = arith.mulf %dot_general3A_106, %dot_general3A_217 : vector<24x16384xf32>
    %iota3A_219 = tpu.iota {dimensions = array<i32: 0>} : vector<3x24xi32>
    %iota3A_220 = tpu.iota {dimensions = array<i32: 1>} : vector<3x24xi32>
    %jit3A_221 = arith.constant 3 : i32
    %eq3A_222 = arith.constant 0 : i32
    %eq3A_223 = arith.cmpi eq, %jit3A_221, %eq3A_222 : i32
    %jit3A_224 = arith.constant 1 : i32
    %select_n3A_225 = arith.select %eq3A_223, %jit3A_224, %jit3A_221 : i32
    %rem3A_226 = vector.broadcast %select_n3A_225 : i32 to vector<3x24xi32>
    %rem3A_227 = arith.remsi %iota3A_220, %rem3A_226 : vector<3x24xi32>
    %ne3A_228 = arith.constant 0 : i32
    %ne3A_229 = vector.broadcast %ne3A_228 : i32 to vector<3x24xi32>
    %ne3A_230 = arith.cmpi ne, %rem3A_227, %ne3A_229 : vector<3x24xi32>
    %lt3A_231 = arith.constant 0 : i32
    %lt3A_232 = vector.broadcast %lt3A_231 : i32 to vector<3x24xi32>
    %lt3A_233 = arith.cmpi slt, %rem3A_227, %lt3A_232 : vector<3x24xi32>
    %lt3A_234 = arith.constant 0 : i32
    %lt3A_235 = arith.cmpi slt, %select_n3A_225, %lt3A_234 : i32
    %ne3A_236 = vector.broadcast %lt3A_235 : i1 to vector<3x24xi1>
    %ne3A_237 = vector.broadcast %ne3A_236 : vector<3x24xi1> to vector<3x24xi1>
    %ne3A_238 = arith.xori %lt3A_233, %ne3A_237 : vector<3x24xi1>
    %and3A_239 = arith.andi %ne3A_238, %ne3A_230 : vector<3x24xi1>
    %add3A_240 = vector.broadcast %select_n3A_225 : i32 to vector<3x24xi32>
    %add3A_241 = arith.addi %rem3A_227, %add3A_240 : vector<3x24xi32>
    %select_n3A_242 = arith.select %and3A_239, %add3A_241, %rem3A_227 : vector<3x24xi1>, vector<3x24xi32>
    %eq3A_243 = arith.cmpi eq, %select_n3A_242, %iota3A_219 : vector<3x24xi32>
    %convert_element_type3A_244 = arith.extui %eq3A_243 : vector<3x24xi1> to vector<3x24xi32>
    %convert_element_type3A_245 = arith.sitofp %convert_element_type3A_244 : vector<3x24xi32> to vector<3x24xf32>
    %dot_general3A_246 = arith.constant dense<0.000000e+00> : vector<3x16384xf32>
    %dot_general3A_247 = tpu.matmul %convert_element_type3A_245, %mul3A_218, %dot_general3A_246 {dimension_numbers = #tpu.dot_dimension_numbers<[1], [0], [0], [1], [0, 0, 1, 1], [], []>, transpose_lhs_hint = false} : vector<3x24xf32>, vector<24x16384xf32>, vector<3x16384xf32> -> vector<3x16384xf32>
    %slice3A = vector.extract_strided_slice %get3A_1 {offsets = [0, 0], sizes = [1, 16384], strides = [1, 1]} : vector<3x16384xf32> to vector<1x16384xf32>
    %eq3A_248 = arith.constant -1.000000e+00 : f32
    %eq3A_249 = vector.broadcast %eq3A_248 : f32 to vector<1x16384xf32>
    %eq3A_250 = arith.cmpf oeq, %slice3A, %eq3A_249 : vector<1x16384xf32>
    %slice3A_251 = vector.extract_strided_slice %get3A_1 {offsets = [1, 0], sizes = [1, 16384], strides = [1, 1]} : vector<3x16384xf32> to vector<1x16384xf32>
    %eq3A_252 = arith.constant -1.000000e+00 : f32
    %eq3A_253 = vector.broadcast %eq3A_252 : f32 to vector<1x16384xf32>
    %eq3A_254 = arith.cmpf oeq, %slice3A_251, %eq3A_253 : vector<1x16384xf32>
    %and3A_255 = arith.andi %eq3A_250, %eq3A_254 : vector<1x16384xi1>
    %slice3A_256 = vector.extract_strided_slice %get3A_1 {offsets = [2, 0], sizes = [1, 16384], strides = [1, 1]} : vector<3x16384xf32> to vector<1x16384xf32>
    %eq3A_257 = arith.constant -1.000000e+00 : f32
    %eq3A_258 = vector.broadcast %eq3A_257 : f32 to vector<1x16384xf32>
    %eq3A_259 = arith.cmpf oeq, %slice3A_256, %eq3A_258 : vector<1x16384xf32>
    %and3A_260 = arith.andi %and3A_255, %eq3A_259 : vector<1x16384xi1>
    %jit3A_261 = arith.constant 0.000000e+00 : f32
    %jit3A_262 = arith.constant 1.000000e+00 : f32
    %broadcast_in_dim3A_263 = vector.broadcast %jit3A_261 : f32 to vector<1x16384xf32>
    %broadcast_in_dim3A_264 = vector.broadcast %jit3A_262 : f32 to vector<1x16384xf32>
    %select_n3A_265 = arith.select %and3A_260, %broadcast_in_dim3A_263, %broadcast_in_dim3A_264 : vector<1x16384xi1>, vector<1x16384xf32>
    %broadcast_in_dim3A_266 = arith.constant 0.000000e+00 : f32
    %broadcast_in_dim3A_267 = vector.broadcast %broadcast_in_dim3A_266 : f32 to vector<5x16384xf32>
    %slice3A_268 = vector.extract_strided_slice %concatenate3A {offsets = [8, 0], sizes = [72, 16384], strides = [1, 1]} : vector<80x16384xf32> to vector<72x16384xf32>
    %broadcast_in_dim3A_269 = arith.constant 0.000000e+00 : f32
    %broadcast_in_dim3A_270 = vector.broadcast %broadcast_in_dim3A_269 : f32 to vector<16x16384xf32>
    %concatenate3A_271 = tpu.concatenate %dot_general3A_247, %broadcast_in_dim3A_267, %slice3A_268, %broadcast_in_dim3A_270 in 0 : vector<3x16384xf32>, vector<5x16384xf32>, vector<72x16384xf32>, vector<16x16384xf32> -> vector<96x16384xf32>
    %mul3A_272 = vector.broadcast %select_n3A_265 : vector<1x16384xf32> to vector<96x16384xf32>
    %mul3A_273 = arith.mulf %concatenate3A_271, %mul3A_272 : vector<96x16384xf32>
    %convert_element_type3A_274 = arith.truncf %mul3A_273 : vector<96x16384xf32> to vector<96x16384xbf16>
    %swap3A = arith.constant 0 : index
    %swap3A_275 = arith.constant 0 : index
    %swap3A_276 = vector.load %arg6[%swap3A, %swap3A_275] : memref<96x16384xbf16, #tpu.memory_space<vmem>>, vector<96x16384xbf16>
    tpu.vector_store %arg6[%swap3A, %swap3A_275], %convert_element_type3A_274 {strides = array<i32>} : memref<96x16384xbf16, #tpu.memory_space<vmem>>, vector<96x16384xbf16>,
    %get3A_277 = arith.constant 0 : index
    %get3A_278 = arith.constant 0 : index
    %get3A_279 = arith.constant 0 : index
    %get3A_280 = vector.load %arg3[%get3A_277, %get3A_278, %get3A_279] : memref<8x128x128xf32, #tpu.memory_space<vmem>>, vector<1x128x128xf32>
    %get3A_281 = vector.shape_cast %get3A_280 : vector<1x128x128xf32> to vector<128x128xf32>
    %broadcast_in_dim3A_282 = arith.constant 0 : i32
    %broadcast_in_dim3A_283 = vector.broadcast %broadcast_in_dim3A_282 : i32 to vector<128x128xi32>
    %get3A_284 = arith.constant 1 : index
    %get3A_285 = arith.constant 0 : index
    %get3A_286 = arith.constant 0 : index
    %get3A_287 = vector.load %arg3[%get3A_284, %get3A_285, %get3A_286] : memref<8x128x128xf32, #tpu.memory_space<vmem>>, vector<1x128x128xf32>
    %get3A_288 = vector.shape_cast %get3A_287 : vector<1x128x128xf32> to vector<128x128xf32>
    %lt3A_289 = arith.cmpf olt, %get3A_288, %get3A_281 : vector<128x128xf32>
    %jit3A_290 = arith.constant 1 : i32
    %broadcast_in_dim3A_291 = vector.broadcast %jit3A_290 : i32 to vector<128x128xi32>
    %select_n3A_292 = arith.select %lt3A_289, %broadcast_in_dim3A_291, %broadcast_in_dim3A_283 : vector<128x128xi1>, vector<128x128xi32>
    %get3A_293 = arith.constant 1 : index
    %get3A_294 = arith.constant 0 : index
    %get3A_295 = arith.constant 0 : index
    %get3A_296 = vector.load %arg3[%get3A_293, %get3A_294, %get3A_295] : memref<8x128x128xf32, #tpu.memory_space<vmem>>, vector<1x128x128xf32>
    %get3A_297 = vector.shape_cast %get3A_296 : vector<1x128x128xf32> to vector<128x128xf32>
    %select_n3A_298 = arith.select %lt3A_289, %get3A_297, %get3A_281 : vector<128x128xi1>, vector<128x128xf32>
    %get3A_299 = arith.constant 2 : index
    %get3A_300 = arith.constant 0 : index
    %get3A_301 = arith.constant 0 : index
    %get3A_302 = vector.load %arg3[%get3A_299, %get3A_300, %get3A_301] : memref<8x128x128xf32, #tpu.memory_space<vmem>>, vector<1x128x128xf32>
    %get3A_303 = vector.shape_cast %get3A_302 : vector<1x128x128xf32> to vector<128x128xf32>
    %lt3A_304 = arith.cmpf olt, %get3A_303, %select_n3A_298 : vector<128x128xf32>
    %jit3A_305 = arith.constant 2 : i32
    %broadcast_in_dim3A_306 = vector.broadcast %jit3A_305 : i32 to vector<128x128xi32>
    %select_n3A_307 = arith.select %lt3A_304, %broadcast_in_dim3A_306, %select_n3A_292 : vector<128x128xi1>, vector<128x128xi32>
    %get3A_308 = arith.constant 2 : index
    %get3A_309 = arith.constant 0 : index
    %get3A_310 = arith.constant 0 : index
    %get3A_311 = vector.load %arg3[%get3A_308, %get3A_309, %get3A_310] : memref<8x128x128xf32, #tpu.memory_space<vmem>>, vector<1x128x128xf32>
    %get3A_312 = vector.shape_cast %get3A_311 : vector<1x128x128xf32> to vector<128x128xf32>
    %select_n3A_313 = arith.select %lt3A_304, %get3A_312, %select_n3A_298 : vector<128x128xi1>, vector<128x128xf32>
    %get3A_314 = arith.constant 3 : index
    %get3A_315 = arith.constant 0 : index
    %get3A_316 = arith.constant 0 : index
    %get3A_317 = vector.load %arg3[%get3A_314, %get3A_315, %get3A_316] : memref<8x128x128xf32, #tpu.memory_space<vmem>>, vector<1x128x128xf32>
    %get3A_318 = vector.shape_cast %get3A_317 : vector<1x128x128xf32> to vector<128x128xf32>
    %lt3A_319 = arith.cmpf olt, %get3A_318, %select_n3A_313 : vector<128x128xf32>
    %jit3A_320 = arith.constant 3 : i32
    %broadcast_in_dim3A_321 = vector.broadcast %jit3A_320 : i32 to vector<128x128xi32>
    %select_n3A_322 = arith.select %lt3A_319, %broadcast_in_dim3A_321, %select_n3A_307 : vector<128x128xi1>, vector<128x128xi32>
    %get3A_323 = arith.constant 3 : index
    %get3A_324 = arith.constant 0 : index
    %get3A_325 = arith.constant 0 : index
    %get3A_326 = vector.load %arg3[%get3A_323, %get3A_324, %get3A_325] : memref<8x128x128xf32, #tpu.memory_space<vmem>>, vector<1x128x128xf32>
    %get3A_327 = vector.shape_cast %get3A_326 : vector<1x128x128xf32> to vector<128x128xf32>
    %select_n3A_328 = arith.select %lt3A_319, %get3A_327, %select_n3A_313 : vector<128x128xi1>, vector<128x128xf32>
    %get3A_329 = arith.constant 4 : index
    %get3A_330 = arith.constant 0 : index
    %get3A_331 = arith.constant 0 : index
    %get3A_332 = vector.load %arg3[%get3A_329, %get3A_330, %get3A_331] : memref<8x128x128xf32, #tpu.memory_space<vmem>>, vector<1x128x128xf32>
    %get3A_333 = vector.shape_cast %get3A_332 : vector<1x128x128xf32> to vector<128x128xf32>
    %lt3A_334 = arith.cmpf olt, %get3A_333, %select_n3A_328 : vector<128x128xf32>
    %jit3A_335 = arith.constant 4 : i32
    %broadcast_in_dim3A_336 = vector.broadcast %jit3A_335 : i32 to vector<128x128xi32>
    %select_n3A_337 = arith.select %lt3A_334, %broadcast_in_dim3A_336, %select_n3A_322 : vector<128x128xi1>, vector<128x128xi32>
    %get3A_338 = arith.constant 4 : index
    %get3A_339 = arith.constant 0 : index
    %get3A_340 = arith.constant 0 : index
    %get3A_341 = vector.load %arg3[%get3A_338, %get3A_339, %get3A_340] : memref<8x128x128xf32, #tpu.memory_space<vmem>>, vector<1x128x128xf32>
    %get3A_342 = vector.shape_cast %get3A_341 : vector<1x128x128xf32> to vector<128x128xf32>
    %select_n3A_343 = arith.select %lt3A_334, %get3A_342, %select_n3A_328 : vector<128x128xi1>, vector<128x128xf32>
    %get3A_344 = arith.constant 5 : index
    %get3A_345 = arith.constant 0 : index
    %get3A_346 = arith.constant 0 : index
    %get3A_347 = vector.load %arg3[%get3A_344, %get3A_345, %get3A_346] : memref<8x128x128xf32, #tpu.memory_space<vmem>>, vector<1x128x128xf32>
    %get3A_348 = vector.shape_cast %get3A_347 : vector<1x128x128xf32> to vector<128x128xf32>
    %lt3A_349 = arith.cmpf olt, %get3A_348, %select_n3A_343 : vector<128x128xf32>
    %jit3A_350 = arith.constant 5 : i32
    %broadcast_in_dim3A_351 = vector.broadcast %jit3A_350 : i32 to vector<128x128xi32>
    %select_n3A_352 = arith.select %lt3A_349, %broadcast_in_dim3A_351, %select_n3A_337 : vector<128x128xi1>, vector<128x128xi32>
    %get3A_353 = arith.constant 5 : index
    %get3A_354 = arith.constant 0 : index
    %get3A_355 = arith.constant 0 : index
    %get3A_356 = vector.load %arg3[%get3A_353, %get3A_354, %get3A_355] : memref<8x128x128xf32, #tpu.memory_space<vmem>>, vector<1x128x128xf32>
    %get3A_357 = vector.shape_cast %get3A_356 : vector<1x128x128xf32> to vector<128x128xf32>
    %select_n3A_358 = arith.select %lt3A_349, %get3A_357, %select_n3A_343 : vector<128x128xi1>, vector<128x128xf32>
    %get3A_359 = arith.constant 6 : index
    %get3A_360 = arith.constant 0 : index
    %get3A_361 = arith.constant 0 : index
    %get3A_362 = vector.load %arg3[%get3A_359, %get3A_360, %get3A_361] : memref<8x128x128xf32, #tpu.memory_space<vmem>>, vector<1x128x128xf32>
    %get3A_363 = vector.shape_cast %get3A_362 : vector<1x128x128xf32> to vector<128x128xf32>
    %lt3A_364 = arith.cmpf olt, %get3A_363, %select_n3A_358 : vector<128x128xf32>
    %jit3A_365 = arith.constant 6 : i32
    %broadcast_in_dim3A_366 = vector.broadcast %jit3A_365 : i32 to vector<128x128xi32>
    %select_n3A_367 = arith.select %lt3A_364, %broadcast_in_dim3A_366, %select_n3A_352 : vector<128x128xi1>, vector<128x128xi32>
    %get3A_368 = arith.constant 6 : index
    %get3A_369 = arith.constant 0 : index
    %get3A_370 = arith.constant 0 : index
    %get3A_371 = vector.load %arg3[%get3A_368, %get3A_369, %get3A_370] : memref<8x128x128xf32, #tpu.memory_space<vmem>>, vector<1x128x128xf32>
    %get3A_372 = vector.shape_cast %get3A_371 : vector<1x128x128xf32> to vector<128x128xf32>
    %select_n3A_373 = arith.select %lt3A_364, %get3A_372, %select_n3A_358 : vector<128x128xi1>, vector<128x128xf32>
    %get3A_374 = arith.constant 7 : index
    %get3A_375 = arith.constant 0 : index
    %get3A_376 = arith.constant 0 : index
    %get3A_377 = vector.load %arg3[%get3A_374, %get3A_375, %get3A_376] : memref<8x128x128xf32, #tpu.memory_space<vmem>>, vector<1x128x128xf32>
    %get3A_378 = vector.shape_cast %get3A_377 : vector<1x128x128xf32> to vector<128x128xf32>
    %lt3A_379 = arith.cmpf olt, %get3A_378, %select_n3A_373 : vector<128x128xf32>
    %jit3A_380 = arith.constant 7 : i32
    %broadcast_in_dim3A_381 = vector.broadcast %jit3A_380 : i32 to vector<128x128xi32>
    %select_n3A_382 = arith.select %lt3A_379, %broadcast_in_dim3A_381, %select_n3A_367 : vector<128x128xi1>, vector<128x128xi32>
    %iota3A_383 = tpu.iota {dimensions = array<i32: 0>} : vector<128x128xi32>
    %iota3A_384 = tpu.iota {dimensions = array<i32: 1>} : vector<128x128xi32>
    %lt3A_385 = arith.cmpi slt, %iota3A_383, %iota3A_384 : vector<128x128xi32>
    %convert_element_type3A_386 = arith.extui %lt3A_385 : vector<128x128xi1> to vector<128x128xi32>
    %convert_element_type3A_387 = arith.sitofp %convert_element_type3A_386 : vector<128x128xi32> to vector<128x128xf32>
    %lt3A_388 = arith.cmpi slt, %iota3A_384, %iota3A_383 : vector<128x128xi32>
    %convert_element_type3A_389 = arith.extui %lt3A_388 : vector<128x128xi1> to vector<128x128xi32>
    %convert_element_type3A_390 = arith.sitofp %convert_element_type3A_389 : vector<128x128xi32> to vector<128x128xf32>
    %broadcast_in_dim3A_391 = arith.constant 0.000000e+00 : f32
    %broadcast_in_dim3A_392 = vector.broadcast %broadcast_in_dim3A_391 : f32 to vector<128x128xf32>
    %eq3A_393 = arith.constant 0 : i32
    %eq3A_394 = vector.broadcast %eq3A_393 : i32 to vector<128x128xi32>
    %eq3A_395 = arith.cmpi eq, %select_n3A_382, %eq3A_394 : vector<128x128xi32>
    %convert_element_type3A_396 = arith.extui %eq3A_395 : vector<128x128xi1> to vector<128x128xi32>
    %convert_element_type3A_397 = arith.sitofp %convert_element_type3A_396 : vector<128x128xi32> to vector<128x128xf32>
    %dot_general3A_398 = arith.constant dense<0.000000e+00> : vector<128x128xf32>
    %dot_general3A_399 = tpu.matmul %convert_element_type3A_397, %convert_element_type3A_387, %dot_general3A_398 {dimension_numbers = #tpu.dot_dimension_numbers<[1], [0], [0], [1], [0, 0, 1, 1], [], []>, transpose_lhs_hint = false} : vector<128x128xf32>, vector<128x128xf32>, vector<128x128xf32> -> vector<128x128xf32>
    %reduce_sum3A_400 = arith.constant dense<0.000000e+00> : vector<128xf32>
    %reduce_sum3A_401 = vector.multi_reduction <add>, %convert_element_type3A_397, %reduce_sum3A_400 [1] : vector<128x128xf32> to vector<128xf32>
    %broadcast_in_dim3A_402 = vector.shape_cast %reduce_sum3A_401 : vector<128xf32> to vector<128x1xf32>
    %dot_general3A_403 = arith.constant dense<0.000000e+00> : vector<128x1xf32>
    %dot_general3A_404 = tpu.matmul %convert_element_type3A_390, %broadcast_in_dim3A_402, %dot_general3A_403 {dimension_numbers = #tpu.dot_dimension_numbers<[1], [0], [0], [1], [0, 0, 1, 1], [], []>, transpose_lhs_hint = false} : vector<128x128xf32>, vector<128x1xf32>, vector<128x1xf32> -> vector<128x1xf32>
    %reduce_sum3A_405 = vector.shape_cast %broadcast_in_dim3A_402 : vector<128x1xf32> to vector<1x128x1xf32>
    %reduce_sum3A_406 = arith.constant dense<0.000000e+00> : vector<1xf32>
    %reduce_sum3A_407 = vector.multi_reduction <add>, %reduce_sum3A_405, %reduce_sum3A_406 [1, 2] : vector<1x128x1xf32> to vector<1xf32>
    %reduce_sum3A_408 = vector.shape_cast %reduce_sum3A_407 : vector<1xf32> to vector<1x1x1xf32>
    %reduce_sum3A_409 = vector.extract %reduce_sum3A_408[0, 0, 0] : f32 from vector<1x1x1xf32>
    %add3A_410 = arith.constant 1.023000e+03 : f32
    %add3A_411 = arith.addf %reduce_sum3A_409, %add3A_410 : f32
    %mul3A_412 = arith.constant 9.765625E-4 : f32
    %mul3A_413 = arith.mulf %add3A_411, %mul3A_412 : f32
    %floor3A = math.floor %mul3A_413 : f32
    %convert_element_type3A_414 = arith.fptosi %floor3A : f32 to i32
    %swap3A_415 = arith.constant 0 : index
    %swap3A_416 = memref.load %arg8[%swap3A_415] : memref<8xi32, #tpu.memory_space<smem>>
    memref.store %convert_element_type3A_414, %arg8[%swap3A_415] : memref<8xi32, #tpu.memory_space<smem>>
    %add3A_417 = vector.broadcast %dot_general3A_404 : vector<128x1xf32> to vector<128x128xf32>
    %add3A_418 = arith.addf %dot_general3A_399, %add3A_417 : vector<128x128xf32>
    %add3A_419 = arith.constant 0.000000e+00 : f32
    %add3A_420 = vector.broadcast %add3A_419 : f32 to vector<128x128xf32>
    %add3A_421 = arith.addf %add3A_418, %add3A_420 : vector<128x128xf32>
    %mul3A_422 = arith.mulf %add3A_421, %convert_element_type3A_397 : vector<128x128xf32>
    %add3A_423 = arith.addf %broadcast_in_dim3A_392, %mul3A_422 : vector<128x128xf32>
    %mul3A_424 = arith.constant 1.024000e+03 : f32
    %mul3A_425 = arith.mulf %floor3A, %mul3A_424 : f32
    %add3A_426 = arith.constant 0.000000e+00 : f32
    %add3A_427 = arith.addf %add3A_426, %mul3A_425 : f32
    %eq3A_428 = arith.constant 1 : i32
    %eq3A_429 = vector.broadcast %eq3A_428 : i32 to vector<128x128xi32>
    %eq3A_430 = arith.cmpi eq, %select_n3A_382, %eq3A_429 : vector<128x128xi32>
    %convert_element_type3A_431 = arith.extui %eq3A_430 : vector<128x128xi1> to vector<128x128xi32>
    %convert_element_type3A_432 = arith.sitofp %convert_element_type3A_431 : vector<128x128xi32> to vector<128x128xf32>
    %dot_general3A_433 = arith.constant dense<0.000000e+00> : vector<128x128xf32>
    %dot_general3A_434 = tpu.matmul %convert_element_type3A_432, %convert_element_type3A_387, %dot_general3A_433 {dimension_numbers = #tpu.dot_dimension_numbers<[1], [0], [0], [1], [0, 0, 1, 1], [], []>, transpose_lhs_hint = false} : vector<128x128xf32>, vector<128x128xf32>, vector<128x128xf32> -> vector<128x128xf32>
    %reduce_sum3A_435 = arith.constant dense<0.000000e+00> : vector<128xf32>
    %reduce_sum3A_436 = vector.multi_reduction <add>, %convert_element_type3A_432, %reduce_sum3A_435 [1] : vector<128x128xf32> to vector<128xf32>
    %broadcast_in_dim3A_437 = vector.shape_cast %reduce_sum3A_436 : vector<128xf32> to vector<128x1xf32>
    %dot_general3A_438 = arith.constant dense<0.000000e+00> : vector<128x1xf32>
    %dot_general3A_439 = tpu.matmul %convert_element_type3A_390, %broadcast_in_dim3A_437, %dot_general3A_438 {dimension_numbers = #tpu.dot_dimension_numbers<[1], [0], [0], [1], [0, 0, 1, 1], [], []>, transpose_lhs_hint = false} : vector<128x128xf32>, vector<128x1xf32>, vector<128x1xf32> -> vector<128x1xf32>
    %reduce_sum3A_440 = vector.shape_cast %broadcast_in_dim3A_437 : vector<128x1xf32> to vector<1x128x1xf32>
    %reduce_sum3A_441 = arith.constant dense<0.000000e+00> : vector<1xf32>
    %reduce_sum3A_442 = vector.multi_reduction <add>, %reduce_sum3A_440, %reduce_sum3A_441 [1, 2] : vector<1x128x1xf32> to vector<1xf32>
    %reduce_sum3A_443 = vector.shape_cast %reduce_sum3A_442 : vector<1xf32> to vector<1x1x1xf32>
    %reduce_sum3A_444 = vector.extract %reduce_sum3A_443[0, 0, 0] : f32 from vector<1x1x1xf32>
    %add3A_445 = arith.constant 1.023000e+03 : f32
    %add3A_446 = arith.addf %reduce_sum3A_444, %add3A_445 : f32
    %mul3A_447 = arith.constant 9.765625E-4 : f32
    %mul3A_448 = arith.mulf %add3A_446, %mul3A_447 : f32
    %floor3A_449 = math.floor %mul3A_448 : f32
    %convert_element_type3A_450 = arith.fptosi %floor3A_449 : f32 to i32
    %swap3A_451 = arith.constant 1 : index
    %swap3A_452 = memref.load %arg8[%swap3A_451] : memref<8xi32, #tpu.memory_space<smem>>
    memref.store %convert_element_type3A_450, %arg8[%swap3A_451] : memref<8xi32, #tpu.memory_space<smem>>
    %add3A_453 = vector.broadcast %dot_general3A_439 : vector<128x1xf32> to vector<128x128xf32>
    %add3A_454 = arith.addf %dot_general3A_434, %add3A_453 : vector<128x128xf32>
    %add3A_455 = vector.broadcast %add3A_427 : f32 to vector<128x128xf32>
    %add3A_456 = arith.addf %add3A_454, %add3A_455 : vector<128x128xf32>
    %mul3A_457 = arith.mulf %add3A_456, %convert_element_type3A_432 : vector<128x128xf32>
    %add3A_458 = arith.addf %add3A_423, %mul3A_457 : vector<128x128xf32>
    %mul3A_459 = arith.constant 1.024000e+03 : f32
    %mul3A_460 = arith.mulf %floor3A_449, %mul3A_459 : f32
    %add3A_461 = arith.addf %add3A_427, %mul3A_460 : f32
    %eq3A_462 = arith.constant 2 : i32
    %eq3A_463 = vector.broadcast %eq3A_462 : i32 to vector<128x128xi32>
    %eq3A_464 = arith.cmpi eq, %select_n3A_382, %eq3A_463 : vector<128x128xi32>
    %convert_element_type3A_465 = arith.extui %eq3A_464 : vector<128x128xi1> to vector<128x128xi32>
    %convert_element_type3A_466 = arith.sitofp %convert_element_type3A_465 : vector<128x128xi32> to vector<128x128xf32>
    %dot_general3A_467 = arith.constant dense<0.000000e+00> : vector<128x128xf32>
    %dot_general3A_468 = tpu.matmul %convert_element_type3A_466, %convert_element_type3A_387, %dot_general3A_467 {dimension_numbers = #tpu.dot_dimension_numbers<[1], [0], [0], [1], [0, 0, 1, 1], [], []>, transpose_lhs_hint = false} : vector<128x128xf32>, vector<128x128xf32>, vector<128x128xf32> -> vector<128x128xf32>
    %reduce_sum3A_469 = arith.constant dense<0.000000e+00> : vector<128xf32>
    %reduce_sum3A_470 = vector.multi_reduction <add>, %convert_element_type3A_466, %reduce_sum3A_469 [1] : vector<128x128xf32> to vector<128xf32>
    %broadcast_in_dim3A_471 = vector.shape_cast %reduce_sum3A_470 : vector<128xf32> to vector<128x1xf32>
    %dot_general3A_472 = arith.constant dense<0.000000e+00> : vector<128x1xf32>
    %dot_general3A_473 = tpu.matmul %convert_element_type3A_390, %broadcast_in_dim3A_471, %dot_general3A_472 {dimension_numbers = #tpu.dot_dimension_numbers<[1], [0], [0], [1], [0, 0, 1, 1], [], []>, transpose_lhs_hint = false} : vector<128x128xf32>, vector<128x1xf32>, vector<128x1xf32> -> vector<128x1xf32>
    %reduce_sum3A_474 = vector.shape_cast %broadcast_in_dim3A_471 : vector<128x1xf32> to vector<1x128x1xf32>
    %reduce_sum3A_475 = arith.constant dense<0.000000e+00> : vector<1xf32>
    %reduce_sum3A_476 = vector.multi_reduction <add>, %reduce_sum3A_474, %reduce_sum3A_475 [1, 2] : vector<1x128x1xf32> to vector<1xf32>
    %reduce_sum3A_477 = vector.shape_cast %reduce_sum3A_476 : vector<1xf32> to vector<1x1x1xf32>
    %reduce_sum3A_478 = vector.extract %reduce_sum3A_477[0, 0, 0] : f32 from vector<1x1x1xf32>
    %add3A_479 = arith.constant 1.023000e+03 : f32
    %add3A_480 = arith.addf %reduce_sum3A_478, %add3A_479 : f32
    %mul3A_481 = arith.constant 9.765625E-4 : f32
    %mul3A_482 = arith.mulf %add3A_480, %mul3A_481 : f32
    %floor3A_483 = math.floor %mul3A_482 : f32
    %convert_element_type3A_484 = arith.fptosi %floor3A_483 : f32 to i32
    %swap3A_485 = arith.constant 2 : index
    %swap3A_486 = memref.load %arg8[%swap3A_485] : memref<8xi32, #tpu.memory_space<smem>>
    memref.store %convert_element_type3A_484, %arg8[%swap3A_485] : memref<8xi32, #tpu.memory_space<smem>>
    %add3A_487 = vector.broadcast %dot_general3A_473 : vector<128x1xf32> to vector<128x128xf32>
    %add3A_488 = arith.addf %dot_general3A_468, %add3A_487 : vector<128x128xf32>
    %add3A_489 = vector.broadcast %add3A_461 : f32 to vector<128x128xf32>
    %add3A_490 = arith.addf %add3A_488, %add3A_489 : vector<128x128xf32>
    %mul3A_491 = arith.mulf %add3A_490, %convert_element_type3A_466 : vector<128x128xf32>
    %add3A_492 = arith.addf %add3A_458, %mul3A_491 : vector<128x128xf32>
    %mul3A_493 = arith.constant 1.024000e+03 : f32
    %mul3A_494 = arith.mulf %floor3A_483, %mul3A_493 : f32
    %add3A_495 = arith.addf %add3A_461, %mul3A_494 : f32
    %eq3A_496 = arith.constant 3 : i32
    %eq3A_497 = vector.broadcast %eq3A_496 : i32 to vector<128x128xi32>
    %eq3A_498 = arith.cmpi eq, %select_n3A_382, %eq3A_497 : vector<128x128xi32>
    %convert_element_type3A_499 = arith.extui %eq3A_498 : vector<128x128xi1> to vector<128x128xi32>
    %convert_element_type3A_500 = arith.sitofp %convert_element_type3A_499 : vector<128x128xi32> to vector<128x128xf32>
    %dot_general3A_501 = arith.constant dense<0.000000e+00> : vector<128x128xf32>
    %dot_general3A_502 = tpu.matmul %convert_element_type3A_500, %convert_element_type3A_387, %dot_general3A_501 {dimension_numbers = #tpu.dot_dimension_numbers<[1], [0], [0], [1], [0, 0, 1, 1], [], []>, transpose_lhs_hint = false} : vector<128x128xf32>, vector<128x128xf32>, vector<128x128xf32> -> vector<128x128xf32>
    %reduce_sum3A_503 = arith.constant dense<0.000000e+00> : vector<128xf32>
    %reduce_sum3A_504 = vector.multi_reduction <add>, %convert_element_type3A_500, %reduce_sum3A_503 [1] : vector<128x128xf32> to vector<128xf32>
    %broadcast_in_dim3A_505 = vector.shape_cast %reduce_sum3A_504 : vector<128xf32> to vector<128x1xf32>
    %dot_general3A_506 = arith.constant dense<0.000000e+00> : vector<128x1xf32>
    %dot_general3A_507 = tpu.matmul %convert_element_type3A_390, %broadcast_in_dim3A_505, %dot_general3A_506 {dimension_numbers = #tpu.dot_dimension_numbers<[1], [0], [0], [1], [0, 0, 1, 1], [], []>, transpose_lhs_hint = false} : vector<128x128xf32>, vector<128x1xf32>, vector<128x1xf32> -> vector<128x1xf32>
    %reduce_sum3A_508 = vector.shape_cast %broadcast_in_dim3A_505 : vector<128x1xf32> to vector<1x128x1xf32>
    %reduce_sum3A_509 = arith.constant dense<0.000000e+00> : vector<1xf32>
    %reduce_sum3A_510 = vector.multi_reduction <add>, %reduce_sum3A_508, %reduce_sum3A_509 [1, 2] : vector<1x128x1xf32> to vector<1xf32>
    %reduce_sum3A_511 = vector.shape_cast %reduce_sum3A_510 : vector<1xf32> to vector<1x1x1xf32>
    %reduce_sum3A_512 = vector.extract %reduce_sum3A_511[0, 0, 0] : f32 from vector<1x1x1xf32>
    %add3A_513 = arith.constant 1.023000e+03 : f32
    %add3A_514 = arith.addf %reduce_sum3A_512, %add3A_513 : f32
    %mul3A_515 = arith.constant 9.765625E-4 : f32
    %mul3A_516 = arith.mulf %add3A_514, %mul3A_515 : f32
    %floor3A_517 = math.floor %mul3A_516 : f32
    %convert_element_type3A_518 = arith.fptosi %floor3A_517 : f32 to i32
    %swap3A_519 = arith.constant 3 : index
    %swap3A_520 = memref.load %arg8[%swap3A_519] : memref<8xi32, #tpu.memory_space<smem>>
    memref.store %convert_element_type3A_518, %arg8[%swap3A_519] : memref<8xi32, #tpu.memory_space<smem>>
    %add3A_521 = vector.broadcast %dot_general3A_507 : vector<128x1xf32> to vector<128x128xf32>
    %add3A_522 = arith.addf %dot_general3A_502, %add3A_521 : vector<128x128xf32>
    %add3A_523 = vector.broadcast %add3A_495 : f32 to vector<128x128xf32>
    %add3A_524 = arith.addf %add3A_522, %add3A_523 : vector<128x128xf32>
    %mul3A_525 = arith.mulf %add3A_524, %convert_element_type3A_500 : vector<128x128xf32>
    %add3A_526 = arith.addf %add3A_492, %mul3A_525 : vector<128x128xf32>
    %mul3A_527 = arith.constant 1.024000e+03 : f32
    %mul3A_528 = arith.mulf %floor3A_517, %mul3A_527 : f32
    %add3A_529 = arith.addf %add3A_495, %mul3A_528 : f32
    %eq3A_530 = arith.constant 4 : i32
    %eq3A_531 = vector.broadcast %eq3A_530 : i32 to vector<128x128xi32>
    %eq3A_532 = arith.cmpi eq, %select_n3A_382, %eq3A_531 : vector<128x128xi32>
    %convert_element_type3A_533 = arith.extui %eq3A_532 : vector<128x128xi1> to vector<128x128xi32>
    %convert_element_type3A_534 = arith.sitofp %convert_element_type3A_533 : vector<128x128xi32> to vector<128x128xf32>
    %dot_general3A_535 = arith.constant dense<0.000000e+00> : vector<128x128xf32>
    %dot_general3A_536 = tpu.matmul %convert_element_type3A_534, %convert_element_type3A_387, %dot_general3A_535 {dimension_numbers = #tpu.dot_dimension_numbers<[1], [0], [0], [1], [0, 0, 1, 1], [], []>, transpose_lhs_hint = false} : vector<128x128xf32>, vector<128x128xf32>, vector<128x128xf32> -> vector<128x128xf32>
    %reduce_sum3A_537 = arith.constant dense<0.000000e+00> : vector<128xf32>
    %reduce_sum3A_538 = vector.multi_reduction <add>, %convert_element_type3A_534, %reduce_sum3A_537 [1] : vector<128x128xf32> to vector<128xf32>
    %broadcast_in_dim3A_539 = vector.shape_cast %reduce_sum3A_538 : vector<128xf32> to vector<128x1xf32>
    %dot_general3A_540 = arith.constant dense<0.000000e+00> : vector<128x1xf32>
    %dot_general3A_541 = tpu.matmul %convert_element_type3A_390, %broadcast_in_dim3A_539, %dot_general3A_540 {dimension_numbers = #tpu.dot_dimension_numbers<[1], [0], [0], [1], [0, 0, 1, 1], [], []>, transpose_lhs_hint = false} : vector<128x128xf32>, vector<128x1xf32>, vector<128x1xf32> -> vector<128x1xf32>
    %reduce_sum3A_542 = vector.shape_cast %broadcast_in_dim3A_539 : vector<128x1xf32> to vector<1x128x1xf32>
    %reduce_sum3A_543 = arith.constant dense<0.000000e+00> : vector<1xf32>
    %reduce_sum3A_544 = vector.multi_reduction <add>, %reduce_sum3A_542, %reduce_sum3A_543 [1, 2] : vector<1x128x1xf32> to vector<1xf32>
    %reduce_sum3A_545 = vector.shape_cast %reduce_sum3A_544 : vector<1xf32> to vector<1x1x1xf32>
    %reduce_sum3A_546 = vector.extract %reduce_sum3A_545[0, 0, 0] : f32 from vector<1x1x1xf32>
    %add3A_547 = arith.constant 1.023000e+03 : f32
    %add3A_548 = arith.addf %reduce_sum3A_546, %add3A_547 : f32
    %mul3A_549 = arith.constant 9.765625E-4 : f32
    %mul3A_550 = arith.mulf %add3A_548, %mul3A_549 : f32
    %floor3A_551 = math.floor %mul3A_550 : f32
    %convert_element_type3A_552 = arith.fptosi %floor3A_551 : f32 to i32
    %swap3A_553 = arith.constant 4 : index
    %swap3A_554 = memref.load %arg8[%swap3A_553] : memref<8xi32, #tpu.memory_space<smem>>
    memref.store %convert_element_type3A_552, %arg8[%swap3A_553] : memref<8xi32, #tpu.memory_space<smem>>
    %add3A_555 = vector.broadcast %dot_general3A_541 : vector<128x1xf32> to vector<128x128xf32>
    %add3A_556 = arith.addf %dot_general3A_536, %add3A_555 : vector<128x128xf32>
    %add3A_557 = vector.broadcast %add3A_529 : f32 to vector<128x128xf32>
    %add3A_558 = arith.addf %add3A_556, %add3A_557 : vector<128x128xf32>
    %mul3A_559 = arith.mulf %add3A_558, %convert_element_type3A_534 : vector<128x128xf32>
    %add3A_560 = arith.addf %add3A_526, %mul3A_559 : vector<128x128xf32>
    %mul3A_561 = arith.constant 1.024000e+03 : f32
    %mul3A_562 = arith.mulf %floor3A_551, %mul3A_561 : f32
    %add3A_563 = arith.addf %add3A_529, %mul3A_562 : f32
    %eq3A_564 = arith.constant 5 : i32
    %eq3A_565 = vector.broadcast %eq3A_564 : i32 to vector<128x128xi32>
    %eq3A_566 = arith.cmpi eq, %select_n3A_382, %eq3A_565 : vector<128x128xi32>
    %convert_element_type3A_567 = arith.extui %eq3A_566 : vector<128x128xi1> to vector<128x128xi32>
    %convert_element_type3A_568 = arith.sitofp %convert_element_type3A_567 : vector<128x128xi32> to vector<128x128xf32>
    %dot_general3A_569 = arith.constant dense<0.000000e+00> : vector<128x128xf32>
    %dot_general3A_570 = tpu.matmul %convert_element_type3A_568, %convert_element_type3A_387, %dot_general3A_569 {dimension_numbers = #tpu.dot_dimension_numbers<[1], [0], [0], [1], [0, 0, 1, 1], [], []>, transpose_lhs_hint = false} : vector<128x128xf32>, vector<128x128xf32>, vector<128x128xf32> -> vector<128x128xf32>
    %reduce_sum3A_571 = arith.constant dense<0.000000e+00> : vector<128xf32>
    %reduce_sum3A_572 = vector.multi_reduction <add>, %convert_element_type3A_568, %reduce_sum3A_571 [1] : vector<128x128xf32> to vector<128xf32>
    %broadcast_in_dim3A_573 = vector.shape_cast %reduce_sum3A_572 : vector<128xf32> to vector<128x1xf32>
    %dot_general3A_574 = arith.constant dense<0.000000e+00> : vector<128x1xf32>
    %dot_general3A_575 = tpu.matmul %convert_element_type3A_390, %broadcast_in_dim3A_573, %dot_general3A_574 {dimension_numbers = #tpu.dot_dimension_numbers<[1], [0], [0], [1], [0, 0, 1, 1], [], []>, transpose_lhs_hint = false} : vector<128x128xf32>, vector<128x1xf32>, vector<128x1xf32> -> vector<128x1xf32>
    %reduce_sum3A_576 = vector.shape_cast %broadcast_in_dim3A_573 : vector<128x1xf32> to vector<1x128x1xf32>
    %reduce_sum3A_577 = arith.constant dense<0.000000e+00> : vector<1xf32>
    %reduce_sum3A_578 = vector.multi_reduction <add>, %reduce_sum3A_576, %reduce_sum3A_577 [1, 2] : vector<1x128x1xf32> to vector<1xf32>
    %reduce_sum3A_579 = vector.shape_cast %reduce_sum3A_578 : vector<1xf32> to vector<1x1x1xf32>
    %reduce_sum3A_580 = vector.extract %reduce_sum3A_579[0, 0, 0] : f32 from vector<1x1x1xf32>
    %add3A_581 = arith.constant 1.023000e+03 : f32
    %add3A_582 = arith.addf %reduce_sum3A_580, %add3A_581 : f32
    %mul3A_583 = arith.constant 9.765625E-4 : f32
    %mul3A_584 = arith.mulf %add3A_582, %mul3A_583 : f32
    %floor3A_585 = math.floor %mul3A_584 : f32
    %convert_element_type3A_586 = arith.fptosi %floor3A_585 : f32 to i32
    %swap3A_587 = arith.constant 5 : index
    %swap3A_588 = memref.load %arg8[%swap3A_587] : memref<8xi32, #tpu.memory_space<smem>>
    memref.store %convert_element_type3A_586, %arg8[%swap3A_587] : memref<8xi32, #tpu.memory_space<smem>>
    %add3A_589 = vector.broadcast %dot_general3A_575 : vector<128x1xf32> to vector<128x128xf32>
    %add3A_590 = arith.addf %dot_general3A_570, %add3A_589 : vector<128x128xf32>
    %add3A_591 = vector.broadcast %add3A_563 : f32 to vector<128x128xf32>
    %add3A_592 = arith.addf %add3A_590, %add3A_591 : vector<128x128xf32>
    %mul3A_593 = arith.mulf %add3A_592, %convert_element_type3A_568 : vector<128x128xf32>
    %add3A_594 = arith.addf %add3A_560, %mul3A_593 : vector<128x128xf32>
    %mul3A_595 = arith.constant 1.024000e+03 : f32
    %mul3A_596 = arith.mulf %floor3A_585, %mul3A_595 : f32
    %add3A_597 = arith.addf %add3A_563, %mul3A_596 : f32
    %eq3A_598 = arith.constant 6 : i32
    %eq3A_599 = vector.broadcast %eq3A_598 : i32 to vector<128x128xi32>
    %eq3A_600 = arith.cmpi eq, %select_n3A_382, %eq3A_599 : vector<128x128xi32>
    %convert_element_type3A_601 = arith.extui %eq3A_600 : vector<128x128xi1> to vector<128x128xi32>
    %convert_element_type3A_602 = arith.sitofp %convert_element_type3A_601 : vector<128x128xi32> to vector<128x128xf32>
    %dot_general3A_603 = arith.constant dense<0.000000e+00> : vector<128x128xf32>
    %dot_general3A_604 = tpu.matmul %convert_element_type3A_602, %convert_element_type3A_387, %dot_general3A_603 {dimension_numbers = #tpu.dot_dimension_numbers<[1], [0], [0], [1], [0, 0, 1, 1], [], []>, transpose_lhs_hint = false} : vector<128x128xf32>, vector<128x128xf32>, vector<128x128xf32> -> vector<128x128xf32>
    %reduce_sum3A_605 = arith.constant dense<0.000000e+00> : vector<128xf32>
    %reduce_sum3A_606 = vector.multi_reduction <add>, %convert_element_type3A_602, %reduce_sum3A_605 [1] : vector<128x128xf32> to vector<128xf32>
    %broadcast_in_dim3A_607 = vector.shape_cast %reduce_sum3A_606 : vector<128xf32> to vector<128x1xf32>
    %dot_general3A_608 = arith.constant dense<0.000000e+00> : vector<128x1xf32>
    %dot_general3A_609 = tpu.matmul %convert_element_type3A_390, %broadcast_in_dim3A_607, %dot_general3A_608 {dimension_numbers = #tpu.dot_dimension_numbers<[1], [0], [0], [1], [0, 0, 1, 1], [], []>, transpose_lhs_hint = false} : vector<128x128xf32>, vector<128x1xf32>, vector<128x1xf32> -> vector<128x1xf32>
    %reduce_sum3A_610 = vector.shape_cast %broadcast_in_dim3A_607 : vector<128x1xf32> to vector<1x128x1xf32>
    %reduce_sum3A_611 = arith.constant dense<0.000000e+00> : vector<1xf32>
    %reduce_sum3A_612 = vector.multi_reduction <add>, %reduce_sum3A_610, %reduce_sum3A_611 [1, 2] : vector<1x128x1xf32> to vector<1xf32>
    %reduce_sum3A_613 = vector.shape_cast %reduce_sum3A_612 : vector<1xf32> to vector<1x1x1xf32>
    %reduce_sum3A_614 = vector.extract %reduce_sum3A_613[0, 0, 0] : f32 from vector<1x1x1xf32>
    %add3A_615 = arith.constant 1.023000e+03 : f32
    %add3A_616 = arith.addf %reduce_sum3A_614, %add3A_615 : f32
    %mul3A_617 = arith.constant 9.765625E-4 : f32
    %mul3A_618 = arith.mulf %add3A_616, %mul3A_617 : f32
    %floor3A_619 = math.floor %mul3A_618 : f32
    %convert_element_type3A_620 = arith.fptosi %floor3A_619 : f32 to i32
    %swap3A_621 = arith.constant 6 : index
    %swap3A_622 = memref.load %arg8[%swap3A_621] : memref<8xi32, #tpu.memory_space<smem>>
    memref.store %convert_element_type3A_620, %arg8[%swap3A_621] : memref<8xi32, #tpu.memory_space<smem>>
    %add3A_623 = vector.broadcast %dot_general3A_609 : vector<128x1xf32> to vector<128x128xf32>
    %add3A_624 = arith.addf %dot_general3A_604, %add3A_623 : vector<128x128xf32>
    %add3A_625 = vector.broadcast %add3A_597 : f32 to vector<128x128xf32>
    %add3A_626 = arith.addf %add3A_624, %add3A_625 : vector<128x128xf32>
    %mul3A_627 = arith.mulf %add3A_626, %convert_element_type3A_602 : vector<128x128xf32>
    %add3A_628 = arith.addf %add3A_594, %mul3A_627 : vector<128x128xf32>
    %mul3A_629 = arith.constant 1.024000e+03 : f32
    %mul3A_630 = arith.mulf %floor3A_619, %mul3A_629 : f32
    %add3A_631 = arith.addf %add3A_597, %mul3A_630 : f32
    %eq3A_632 = arith.constant 7 : i32
    %eq3A_633 = vector.broadcast %eq3A_632 : i32 to vector<128x128xi32>
    %eq3A_634 = arith.cmpi eq, %select_n3A_382, %eq3A_633 : vector<128x128xi32>
    %convert_element_type3A_635 = arith.extui %eq3A_634 : vector<128x128xi1> to vector<128x128xi32>
    %convert_element_type3A_636 = arith.sitofp %convert_element_type3A_635 : vector<128x128xi32> to vector<128x128xf32>
    %dot_general3A_637 = arith.constant dense<0.000000e+00> : vector<128x128xf32>
    %dot_general3A_638 = tpu.matmul %convert_element_type3A_636, %convert_element_type3A_387, %dot_general3A_637 {dimension_numbers = #tpu.dot_dimension_numbers<[1], [0], [0], [1], [0, 0, 1, 1], [], []>, transpose_lhs_hint = false} : vector<128x128xf32>, vector<128x128xf32>, vector<128x128xf32> -> vector<128x128xf32>
    %reduce_sum3A_639 = arith.constant dense<0.000000e+00> : vector<128xf32>
    %reduce_sum3A_640 = vector.multi_reduction <add>, %convert_element_type3A_636, %reduce_sum3A_639 [1] : vector<128x128xf32> to vector<128xf32>
    %broadcast_in_dim3A_641 = vector.shape_cast %reduce_sum3A_640 : vector<128xf32> to vector<128x1xf32>
    %dot_general3A_642 = arith.constant dense<0.000000e+00> : vector<128x1xf32>
    %dot_general3A_643 = tpu.matmul %convert_element_type3A_390, %broadcast_in_dim3A_641, %dot_general3A_642 {dimension_numbers = #tpu.dot_dimension_numbers<[1], [0], [0], [1], [0, 0, 1, 1], [], []>, transpose_lhs_hint = false} : vector<128x128xf32>, vector<128x1xf32>, vector<128x1xf32> -> vector<128x1xf32>
    %reduce_sum3A_644 = vector.shape_cast %broadcast_in_dim3A_641 : vector<128x1xf32> to vector<1x128x1xf32>
    %reduce_sum3A_645 = arith.constant dense<0.000000e+00> : vector<1xf32>
    %reduce_sum3A_646 = vector.multi_reduction <add>, %reduce_sum3A_644, %reduce_sum3A_645 [1, 2] : vector<1x128x1xf32> to vector<1xf32>
    %reduce_sum3A_647 = vector.shape_cast %reduce_sum3A_646 : vector<1xf32> to vector<1x1x1xf32>
    %reduce_sum3A_648 = vector.extract %reduce_sum3A_647[0, 0, 0] : f32 from vector<1x1x1xf32>
    %add3A_649 = arith.constant 1.023000e+03 : f32
    %add3A_650 = arith.addf %reduce_sum3A_648, %add3A_649 : f32
    %mul3A_651 = arith.constant 9.765625E-4 : f32
    %mul3A_652 = arith.mulf %add3A_650, %mul3A_651 : f32
    %floor3A_653 = math.floor %mul3A_652 : f32
    %convert_element_type3A_654 = arith.fptosi %floor3A_653 : f32 to i32
    %swap3A_655 = arith.constant 7 : index
    %swap3A_656 = memref.load %arg8[%swap3A_655] : memref<8xi32, #tpu.memory_space<smem>>
    memref.store %convert_element_type3A_654, %arg8[%swap3A_655] : memref<8xi32, #tpu.memory_space<smem>>
    %add3A_657 = vector.broadcast %dot_general3A_643 : vector<128x1xf32> to vector<128x128xf32>
    %add3A_658 = arith.addf %dot_general3A_638, %add3A_657 : vector<128x128xf32>
    %add3A_659 = vector.broadcast %add3A_631 : f32 to vector<128x128xf32>
    %add3A_660 = arith.addf %add3A_658, %add3A_659 : vector<128x128xf32>
    %mul3A_661 = arith.mulf %add3A_660, %convert_element_type3A_636 : vector<128x128xf32>
    %add3A_662 = arith.addf %add3A_628, %mul3A_661 : vector<128x128xf32>
    %convert_element_type3A_663 = arith.fptosi %add3A_662 : vector<128x128xf32> to vector<128x128xi32>
    %swap3A_664 = arith.constant 0 : index
    %swap3A_665 = arith.constant 0 : index
    %swap3A_666 = vector.load %arg7[%swap3A_664, %swap3A_665] : memref<128x128xi32, #tpu.memory_space<vmem>>, vector<128x128xi32>
    tpu.vector_store %arg7[%swap3A_664, %swap3A_665], %convert_element_type3A_663 {strides = array<i32>} : memref<128x128xi32, #tpu.memory_space<vmem>>, vector<128x128xi32>,
    return
  }
}

module attributes {stable_mosaic.version = 14 : i64} {
  func.func @_mlp_body(%arg0: i32, %arg1: memref<23xi32, #tpu.memory_space<smem>>, %arg2: memref<1024x96xbf16, #tpu.memory_space<vmem>>, %arg3: memref<1x96x256xbf16, #tpu.memory_space<vmem>>, %arg4: memref<1x256x256xbf16, #tpu.memory_space<vmem>>, %arg5: memref<1x256x16xbf16, #tpu.memory_space<vmem>>, %arg6: memref<1024x16xf32, #tpu.memory_space<vmem>>) attributes {dimension_semantics = [#tpu.dimension_semantics<arbitrary>], iteration_bounds = array<i64: 23>, scalar_prefetch = 1 : i64, scratch_operands = 0 : i64, tpu.core_type = #tpu.core_type<tc>, window_params = [{transform_indices = @transform_0, window_bounds = array<i64: 1024, 96>}, {transform_indices = @transform_1, window_bounds = array<i64: 1, 96, 256>}, {transform_indices = @transform_2, window_bounds = array<i64: 1, 256, 256>}, {transform_indices = @transform_3, window_bounds = array<i64: 1, 256, 16>}, {transform_indices = @transform_4, window_bounds = array<i64: 1024, 16>}]} {
    %get3A = arith.constant 0 : index
    %get3A_0 = arith.constant 0 : index
    %get3A_1 = vector.load %arg2[%get3A, %get3A_0] : memref<1024x96xbf16, #tpu.memory_space<vmem>>, vector<1024x96xbf16>
    %get3A_2 = arith.constant 0 : index
    %get3A_3 = arith.constant 0 : index
    %get3A_4 = arith.constant 0 : index
    %get3A_5 = vector.load %arg3[%get3A_2, %get3A_3, %get3A_4] : memref<1x96x256xbf16, #tpu.memory_space<vmem>>, vector<1x96x256xbf16>
    %get3A_6 = vector.shape_cast %get3A_5 : vector<1x96x256xbf16> to vector<96x256xbf16>
    %dot_general3A = arith.constant dense<0.000000e+00> : vector<1024x256xf32>
    %dot_general3A_7 = tpu.matmul %get3A_1, %get3A_6, %dot_general3A {dimension_numbers = #tpu.dot_dimension_numbers<[1], [0], [0], [1], [0, 0, 1, 1], [], []>, transpose_lhs_hint = false} : vector<1024x96xbf16>, vector<96x256xbf16>, vector<1024x256xf32> -> vector<1024x256xf32>
    %max3A = arith.constant 0.000000e+00 : f32
    %max3A_8 = vector.broadcast %max3A : f32 to vector<1024x256xf32>
    %max3A_9 = arith.maximumf %dot_general3A_7, %max3A_8 : vector<1024x256xf32>
    %convert_element_type3A = arith.truncf %max3A_9 : vector<1024x256xf32> to vector<1024x256xbf16>
    %get3A_10 = arith.constant 0 : index
    %get3A_11 = arith.constant 0 : index
    %get3A_12 = arith.constant 0 : index
    %get3A_13 = vector.load %arg4[%get3A_10, %get3A_11, %get3A_12] : memref<1x256x256xbf16, #tpu.memory_space<vmem>>, vector<1x256x256xbf16>
    %get3A_14 = vector.shape_cast %get3A_13 : vector<1x256x256xbf16> to vector<256x256xbf16>
    %dot_general3A_15 = arith.constant dense<0.000000e+00> : vector<1024x256xf32>
    %dot_general3A_16 = tpu.matmul %convert_element_type3A, %get3A_14, %dot_general3A_15 {dimension_numbers = #tpu.dot_dimension_numbers<[1], [0], [0], [1], [0, 0, 1, 1], [], []>, transpose_lhs_hint = false} : vector<1024x256xbf16>, vector<256x256xbf16>, vector<1024x256xf32> -> vector<1024x256xf32>
    %max3A_17 = arith.constant 0.000000e+00 : f32
    %max3A_18 = vector.broadcast %max3A_17 : f32 to vector<1024x256xf32>
    %max3A_19 = arith.maximumf %dot_general3A_16, %max3A_18 : vector<1024x256xf32>
    %convert_element_type3A_20 = arith.truncf %max3A_19 : vector<1024x256xf32> to vector<1024x256xbf16>
    %get3A_21 = arith.constant 0 : index
    %get3A_22 = arith.constant 0 : index
    %get3A_23 = arith.constant 0 : index
    %get3A_24 = vector.load %arg5[%get3A_21, %get3A_22, %get3A_23] : memref<1x256x16xbf16, #tpu.memory_space<vmem>>, vector<1x256x16xbf16>
    %get3A_25 = vector.shape_cast %get3A_24 : vector<1x256x16xbf16> to vector<256x16xbf16>
    %dot_general3A_26 = arith.constant dense<0.000000e+00> : vector<1024x16xf32>
    %dot_general3A_27 = tpu.matmul %convert_element_type3A_20, %get3A_25, %dot_general3A_26 {dimension_numbers = #tpu.dot_dimension_numbers<[1], [0], [0], [1], [0, 0, 1, 1], [], []>, transpose_lhs_hint = false} : vector<1024x256xbf16>, vector<256x16xbf16>, vector<1024x16xf32> -> vector<1024x16xf32>
    %tanh3A = math.tanh %dot_general3A_27 : vector<1024x16xf32>
    %swap3A = arith.constant 0 : index
    %swap3A_28 = arith.constant 0 : index
    %swap3A_29 = vector.load %arg6[%swap3A, %swap3A_28] : memref<1024x16xf32, #tpu.memory_space<vmem>>, vector<1024x16xf32>
    tpu.vector_store %arg6[%swap3A, %swap3A_28], %tanh3A {strides = array<i32>} : memref<1024x16xf32, #tpu.memory_space<vmem>>, vector<1024x16xf32>,
    return
  }
  func.func @transform_0(%arg0: i32, %arg1: memref<23xi32, #tpu.memory_space<smem>>) -> (i32, i32) {
    %c0_i32 = arith.constant 0 : i32
    %c0_i32_0 = arith.constant 0 : i32
    return %arg0, %c0_i32 : i32, i32
  }
  func.func @transform_1(%arg0: i32, %arg1: memref<23xi32, #tpu.memory_space<smem>>) -> (i32, i32, i32) {
    %get3A = arith.index_cast %arg0 : i32 to index
    %get3A_0 = memref.load %arg1[%get3A] : memref<23xi32, #tpu.memory_space<smem>>
    %c0_i32 = arith.constant 0 : i32
    %c0_i32_1 = arith.constant 0 : i32
    %c0_i32_2 = arith.constant 0 : i32
    return %get3A_0, %c0_i32, %c0_i32_1 : i32, i32, i32
  }
  func.func @transform_2(%arg0: i32, %arg1: memref<23xi32, #tpu.memory_space<smem>>) -> (i32, i32, i32) {
    %get3A = arith.index_cast %arg0 : i32 to index
    %get3A_0 = memref.load %arg1[%get3A] : memref<23xi32, #tpu.memory_space<smem>>
    %c0_i32 = arith.constant 0 : i32
    %c0_i32_1 = arith.constant 0 : i32
    %c0_i32_2 = arith.constant 0 : i32
    return %get3A_0, %c0_i32, %c0_i32_1 : i32, i32, i32
  }
  func.func @transform_3(%arg0: i32, %arg1: memref<23xi32, #tpu.memory_space<smem>>) -> (i32, i32, i32) {
    %get3A = arith.index_cast %arg0 : i32 to index
    %get3A_0 = memref.load %arg1[%get3A] : memref<23xi32, #tpu.memory_space<smem>>
    %c0_i32 = arith.constant 0 : i32
    %c0_i32_1 = arith.constant 0 : i32
    %c0_i32_2 = arith.constant 0 : i32
    return %get3A_0, %c0_i32, %c0_i32_1 : i32, i32, i32
  }
  func.func @transform_4(%arg0: i32, %arg1: memref<23xi32, #tpu.memory_space<smem>>) -> (i32, i32) {
    %c0_i32 = arith.constant 0 : i32
    %c0_i32_0 = arith.constant 0 : i32
    return %arg0, %c0_i32 : i32, i32
  }
}

</mosaic_0001>

<sc_bundles>
// kernel: kernel.6.cloned.1.call-start
scs
__scs_entry_jumppad:
0x0: {  	(pc) =	sbr.rel $0x88, $3  }
0x1: {  	(tag) =	ssettag $0x0;
	lr =	simm.s32 $0x1  }
0x2: {  	[smem:$0x3F99] =	sst lr;
	_ =	strace $0xD0000000  }
0x3: {  	_ = 	snop  }
0x4: {  	_ = 	snop  }
0x5: {  	_ = 	snop  }
0x6: {  	_ = 	snop  }
0x7: {  	_ = 	snop  }
__scs_overlays_trampoline_lowered:
0x8: {  	[smem:$0x3FA8] =	sst s0  }
0x9: {  	[smem:$0x3FA9] =	sst s1  }
0xa: {  	[smem:$0x3FAA] =	sst s2  }
0xb: {  	[smem:$0x3FAB] =	sst s3  }
0xc: {  	[smem:$0x3FAC] =	sst s4  }
0xd: {  	[smem:$0x3FAD] =	sst s5  }
0xe: {  	[smem:$0x3FAE] =	sst s6  }
0xf: {  	[smem:$0x3FAF] =	sst s7  }
0x10: {  	[smem:$0x3FB0] =	sst s8  }
0x11: {  	[smem:$0x3FB1] =	sst s9;
	s0 =	simm.s32 @!p0 $0x0  }
0x12: {  	s1 =	sld [smem:$0x3F97];
	s0 =	simm.s32 @p0 $0x1  }
0x13: {  	[smem:$0x3FB2] =	sst s0;
	s0 =	simm.s32 @!p1 $0x0  }
0x14: {  	s2 =	sld [smem:$0x3F96];
	s0 =	simm.s32 @p1 $0x1  }
0x15: {  	[smem:$0x3FB3] =	sst s0;
	s0 =	simm.s32 @!p2 $0x0  }
0x16: {  	s3 =	sld [smem:$0x3FDB];
	s0 =	simm.s32 @p2 $0x1  }
0x17: {  	s4 =	simm.s32 $0x1BF5;
	[smem:$0x3FB5] =	sst s0  }
0x18: {  	s0 =	sld [smem:$0x3F98];
	_ =	swait.ge [sflag:s4], $0x0  }
0x19: {  	s7 =	sld [smem:$0x3F99]  }
0x1a: {  	s8 =	sadd.s32 $0xFFFFE003, lr  }
0x1b: {  	s9 =	sadd.s32 $0xFFFFFEF7, lr;
	s5 =	simm.s32 $0xFFFFFFFF;
	p2 =	slt.u32 s8, $0xFFFFF086  }
0x1c: {  	p1 =	slt.u32 s9, $0xF7A;
	s5 =	simm.s32 @!p2 $0x0  }
0x1d: {  	s5 =	simm.s32 @p1 $0x1;
	p0 =	seq.s32 s7, s2  }
0x1e: {  	s7 =	smul.u32 @!p0 $0xF7A, s2;
	p2 =	seq.s32 @!p0 s5, $0x0  }
0x1f: {  	s9 =	smul.u32 $0xF7A, s1;
	s8 =	simm.s32 @!p0 $0x1BF5;
	p2 =	por !p2, p0  }
0x20: {  	[sflag:s8] =	ssyncset.s32 @!p0 $0xFFFFF086;
	s6 =	sadd.s32 @!p0 s3, s7;
	s7 =	simm.s32 @!p0 $0x108  }
0x21: {  	s3 =	sadd.s32 s3, s9;
	s6 =	sadd.s32 @!p0 $0x88, s6;
	s7 =	simm.s32 @p2 $0x1082  }
0x22: {  	[simem:s7], [sflag:s8] =	dma.local @!p0 [hbm:s6], $0xF7A  }
0x23: {  	s9 =	sor.u32 $0xD0000000, s2;
	s6 =	simm.s32 $0x108;
	_ =	swait.ge @!p0 [sflag:s8], $0x0  }
0x24: {  	s3 =	sadd.s32 $0x88, s3;
	s6 =	simm.s32 @!p1 $0x1082;
	[sflag:s4] =	ssyncset.s32 $0xFFFFF086  }
0x25: {  	[simem:s6], [sflag:s4] =	dma.local [hbm:s3], $0xF7A  }
0x26: {  	[smem:$0x3F99] =	sst s1;
	(tag) =	ssettag s2;
	_ =	strace s9  }
0x27: {  	s1 =	sld [smem:$0x3FA9]  }
0x28: {  	s2 =	sld [smem:$0x3FAA]  }
0x29: {  	s4 =	sld [smem:$0x3FAC]  }
0x2a: {  	p0 =	seq.s32 s5, $0x0;
	s5 =	sld [smem:$0x3FAD]  }
0x2b: {  	s6 =	sld [smem:$0x3FAE]  }
0x2c: {  	s7 =	sld [smem:$0x3FAF]  }
0x2d: {  	s3 =	simm.s32 $0x108;
	s8 =	sld [smem:$0x3FB0]  }
0x2e: {  	s3 =	simm.s32 @!p0 $0x1082;
	s9 =	sld [smem:$0x3FB1]  }
0x2f: {  	lr =	sadd.s32 s0, s3;
	s0 =	sld [smem:$0x3FA8]  }
0x30: {  	s3 =	sld [smem:$0x3FAB]  }
0x31: {  	[smem:$0x3FB4] =	sst s10  }
0x32: {  	s10 =	sld [smem:$0x3FB2];
	_ =	sdelay $0x3  }
0x33: {  	p0 =	seq.s32 s10, $0x1;
	s10 =	sld [smem:$0x3FB4];
	_ =	sdelay $0x3  }
0x34: {  	[smem:$0x3FB4] =	sst s10  }
0x35: {  	s10 =	sld [smem:$0x3FB3];
	_ =	sdelay $0x3  }
0x36: {  	p1 =	seq.s32 s10, $0x1;
	s10 =	sld [smem:$0x3FB4];
	_ =	sdelay $0x3  }
0x37: {  	[smem:$0x3FB4] =	sst s10  }
0x38: {  	s10 =	sld [smem:$0x3FB5]  }
0x39: {  	_ = 	snop;
	(pc) =	sbr.ind lr, $3  }
0x3a: {  	_ = 	snop  }
0x3b: {  	_ = 	snop  }
0x3c: {  	p2 =	seq.s32 s10, $0x1;
	s10 =	sld [smem:$0x3FB4]  }
0x3d: {  	_ =	shalt  }
0x3e: {  	_ =	shalt  }
0x3f: {  	_ =	shalt  }
0x40: {  	_ =	shalt  }
0x41: {  	_ =	shalt  }
0x42: {  	_ =	shalt  }
0x43: {  	_ =	shalt  }
0x44: {  	_ =	shalt  }
0x45: {  	_ =	shalt  }
0x46: {  	_ =	shalt  }
0x47: {  	_ =	shalt  }
0x48: {  	_ =	shalt  }
0x49: {  	_ =	shalt  }
0x4a: {  	_ =	shalt  }
0x4b: {  	_ =	shalt  }
0x4c: {  	_ =	shalt  }
0x4d: {  	_ =	shalt  }
0x4e: {  	_ =	shalt  }
0x4f: {  	_ =	shalt  }
0x50: {  	_ =	shalt  }
0x51: {  	_ =	shalt  }
0x52: {  	_ =	shalt  }
0x53: {  	_ =	shalt  }
0x54: {  	_ =	shalt  }
0x55: {  	_ =	shalt  }
0x56: {  	_ =	shalt  }
0x57: {  	_ =	shalt  }
0x58: {  	_ =	shalt  }
0x59: {  	_ =	shalt  }
0x5a: {  	_ =	shalt  }
0x5b: {  	_ =	shalt  }
0x5c: {  	_ =	shalt  }
0x5d: {  	_ =	shalt  }
0x5e: {  	_ =	shalt  }
0x5f: {  	_ =	shalt  }
0x60: {  	_ =	shalt  }
0x61: {  	_ =	shalt  }
0x62: {  	_ =	shalt  }
0x63: {  	_ =	shalt  }
0x64: {  	_ =	shalt  }
0x65: {  	_ =	shalt  }
0x66: {  	_ =	shalt  }
0x67: {  	_ =	shalt  }
0x68: {  	_ =	shalt  }
0x69: {  	_ =	shalt  }
0x6a: {  	_ =	shalt  }
0x6b: {  	_ =	shalt  }
0x6c: {  	_ =	shalt  }
0x6d: {  	_ =	shalt  }
0x6e: {  	_ =	shalt  }
0x6f: {  	_ =	shalt  }
0x70: {  	_ =	shalt  }
0x71: {  	_ =	shalt  }
0x72: {  	_ =	shalt  }
0x73: {  	_ =	shalt  }
0x74: {  	_ =	shalt  }
0x75: {  	_ =	shalt  }
0x76: {  	_ =	shalt  }
0x77: {  	_ =	shalt  }
0x78: {  	_ =	shalt  }
0x79: {  	_ =	shalt  }
0x7a: {  	_ =	shalt  }
0x7b: {  	_ =	shalt  }
0x7c: {  	_ =	shalt  }
0x7d: {  	_ =	shalt  }
0x7e: {  	_ =	shalt  }
0x7f: {  	_ =	shalt  }
0x80: {  	_ =	shalt  }
0x81: {  	_ =	shalt  }
0x82: {  	_ =	shalt  }
0x83: {  	_ =	shalt  }
0x84: {  	_ =	shalt  }
0x85: {  	_ =	shalt  }
0x86: {  	_ =	shalt  }
0x87: {  	_ =	shalt  }
.Lfunc_end0:
.L_simem_size_0:
called_computation_lowered:
.L_overlay_start_0:
0x88: {  	s2 =	sld [smem:$0x3FD9]  }
0x89: {  	s3 =	sld [smem:$0x3FFE];
	_ =	sdelay $0x1  }
0x8a: {  	s1 =	srdreg.scid  }
0x8b: {  	s0 =	sand.u32 $0x1, s1  }
0x8c: {  	s17 =	sshll.u32 s0, $0xA;
	s2 =	sadd.s32 s3, s2  }
0x8d: {  	s2 =	sadd.s32 s2, s17  }
0x8e: {  	[smem:$0x3FC0] =	sst s2  }
0x8f: {  	_ = 	snop  }
0x90: {  	s2 =	sld [smem:$0x3FD0];
	(tm) =	ssettm $0x1  }
0x91: {  	s18 =	sld [smem:$0x3FFB];
	_ =	sdelay $0x3  }
0x92: {  	_ =	strace s18  }
0x93: {  	s3 =	sld [smem:$0x3FFC];
	_ =	sdelay $0x3  }
0x94: {  	_ =	strace s3  }
0x95: {  	s3 =	sld [smem:$0x3FFD];
	_ =	sdelay $0x3  }
0x96: {  	_ =	strace s3  }
0x97: {  	_ =	strace $0x8FFFFFFF  }
0x98: {  	s19 =	sld [smem:$0x3FDB];
	_ =	sdelay $0x1  }
0x99: {  	s4 =	simm.s32 $_scs_section_size  }
0x9a: {  	s5 =	simm.s32 $_size__tile_overlayer_lowered;
	s6 =	simm.s32 $_tile_overlayer_lowered  }
0x9b: {  	s22 =	simm.s32 $0x1BFF;
	s21 =	sshll.u32 s6, $0x1;
	s3 =	sadd.s32 s4, s19  }
0x9c: {  	s7 =	simm.s32 $0x0;
	s20 =	sshll.u32 s5, $0x1;
	s5 =	sadd.s32 s21, s3  }
0x9d: {  	[timem:s7], [sflag:s22] =	dma.local [hbm:s5], s20  }
0x9e: {  	_ =	swait.ge [sflag:s22], s20  }
0x9f: {  	s4 =	ssub.s32 $0x0, s20;
	[sflag:s22] =	ssyncset.done $0x0  }
0xa0: {  	[sflag:s22] =	ssyncadd.s32 s4;
	_ =	sdelay $0x1  }
0xa1: {  	s23 =	simm.s32 $0x1B8B  }
0xa2: {  	_ =	swait.ge [sflag:s23], $0x1  }
0xa3: {  	[sflag:s23] =	ssyncset.done $0x0  }
0xa4: {  	s25 =	simm.s32 $0x1B8E;
	s24 =	sld [smem:$0x3FFE];
	[sflag:s23] =	ssyncadd.s32 $0xFFFFFFFF  }
0xa5: {  	s26 =	simm.s32 $execute0_lowered;
	[smem:$0x3FD2] =	sst s25  }
0xa6: {  	s5 =	sshll.u32 s26, $0x1;
	_ =	strace $0x80000046;
	[dreg:$0x1] =	wrdreg $0xFFFFFFFF  }
0xa7: {  	s28 =	simm.s32 $_size_execute0_lowered;
	s3 =	sadd.s32 s3, s5;
	[dreg:$0x0] =	wrdreg $0x0  }
0xa8: {  	s5 =	sshll.u32 s28, $0x1;
	[dreg:$0x2] =	wrdreg s3  }
0xa9: {  	[dreg:$0x3] =	wrdreg s5  }
0xaa: {  	[dreg:$0x4] =	wrdreg $0xC0  }
0xab: {  	_ =	task [dreg:s7], $0x5FFFF  }
0xac: {  	[dreg:$0x1] =	wrdreg $0xFFFFFFFF  }
0xad: {  	[dreg:$0x0] =	wrdreg $0x60  }
0xae: {  	[dreg:$0x2] =	wrdreg s24  }
0xaf: {  	[dreg:$0x3] =	wrdreg s2  }
0xb0: {  	[dreg:$0x4] =	wrdreg $0x9  }
0xb1: {  	_ =	task.clear_ibuf [dreg:s7], $0x5FFFF;
	_ =	strace $0x90000046  }
0xb2: {  	s29 =	simm.s32 $0x9;
	_ =	strace $0x80000048  }
0xb3: {  	_ =	swait.ge [sflag:s29], $0x1  }
0xb4: {  	[sflag:s29] =	ssyncadd.s32 $0xFFFFFFFF  }
0xb5: {  	_ =	strace $0x90000048  }
0xb6: {  	_ =	sfence  }
0xb7: {  	s30 =	sld [smem:$0x0];
	_ =	sdelay $0x2  }
0xb8: {  	s31 =	sshll.u32 s1, $0xD;
	s1 =	sshrl.u32 s1, $0x2  }
0xb9: {  	s3 =	sand.u32 $0x4000, s31;
	s1 =	sadd.s32 s1, s30  }
0xba: {  	s0 =	sor.u32 s3, s0;
	s1 =	sshll.u32 s1, $0x11  }
0xbb: {  	s0 =	sor.u32 s1, s0  }
0xbc: {  	s0 =	sadd.s32 $0x8F2B, s0  }
0xbd: {  	[sflag:s0] =	ssyncadd.remote.s32 $0x1  }
0xbe: {  	_ =	sfence.sel $0xFFFF  }
0xbf: {  	[dreg:$0x0] =	wrdreg $0xFFFFFFFF;
	(pc) =	sbr.abs _section_cstart, $3  }
0xc0: {  	[dreg:$0x1] =	wrdreg $0xFFFFFFFF  }
0xc1: {  	_ =	task.clear_ibuf [dreg:s7], $0x2FFFF;
	_ =	strace $0x9FFFFFFF  }
0xc2: {  	(tm) =	ssettm $0x7FFFFFFF  }
0xc3: {  	_ =	shalt  }
tec
execute0_lowered:
.L_overlay_start_1:
0x0: {  	(tag) =	ssettag $0x1  }
0x1: {  	s7 =	rddreg [dreg:$0x0]  }
0x2: {  	s3 =	rddreg [dreg:$0x1]  }
0x3: {  	s4 =	srdreg.scid;
	s1 =	stileid.u32  }
0x4: {  	s2 =	simm.s32 $0x0;
	s15 =	sand.u32 $0x1, s4;
	s30 =	sshll.u32 s1, $0x1  }
0x5: {  	[smem:$0x7FF] =	sst s2;
	s4 =	sor.u32 s15, s30  }
0x6: {  	s0 =	rddreg [dreg:$0x2];
	_ =	strace $0x80000047;
	s5 =	sshll.u32 s4, $0x6  }
0x7: {  	s6 =	smul.u32 $0xC00, s4;
	s4 =	simm.s32 $0x2;
	s3 =	sadd.s32 s3, s5  }
0x8: {  	[tilespmem:s2], [sflag:$0x2] =	stream.linear.gather [hbm4b:s3+s2], $0x200, $0x38;
	[tilespmem:$0x6200] =	vst v63  }
0x9: {  	_ =	swait.ge [sflag:s4], $0x200  }
0xa: {  	s31 =	sadd.s32 s6, s7;
	[sflag:s4] =	ssyncset.done $0x0  }
0xb: {  	s6 =	simm.s32 $0x200;
	s5 =	sadd.s32 $0xC00, s31;
	[sflag:s4] =	ssyncadd.s32 $0xFFFFFE00  }
0xc: {  	[tilespmem:s6], [sflag:$0x2] =	stream.linear.gather [hbm4b:s5+s2], $0x6000, $0x38;
	[tilespmem:$0x6200] =	vst v63  }
0xd: {  	_ =	swait.ge [sflag:s4], $0x6000  }
0xe: {  	[sflag:s4] =	ssyncset.done $0x0  }
0xf: {  	s8 =	simm.s32 $0x80;
	s7 =	sadd.s32 $0x18C00, s7;
	[sflag:s4] =	ssyncadd.s32 $0xFFFFA000  }
0x10: {  	[hbm4b:s7+s8] =	stream.indirect.scatter [tilespmem:s6], [sflag:$0x1], $0x30, s2, s8, $0xb8;
	[tilespmem:$0x6200] =	vst v63  }
0x11: {  	s9 =	simm.s32 $0x1A00  }
0x12: {  	[hbm4b:s7+s8] =	stream.indirect.scatter [tilespmem:s9], [sflag:$0x1], $0x30, s8, s8, $0xb8;
	[tilespmem:$0x6200] =	vst v63  }
0x13: {  	s10 =	simm.s32 $0x100;
	s11 =	simm.s32 $0x3200  }
0x14: {  	[hbm4b:s7+s8] =	stream.indirect.scatter [tilespmem:s11], [sflag:$0x1], $0x30, s10, s8, $0xb8;
	[tilespmem:$0x6200] =	vst v63  }
0x15: {  	s12 =	simm.s32 $0x180;
	s14 =	simm.s32 $0x4A00;
	s13 =	simm.s32 $0x1  }
0x16: {  	[hbm4b:s7+s8] =	stream.indirect.scatter [tilespmem:s14], [sflag:$0x1], $0x30, s12, s8, $0xb8;
	[tilespmem:$0x6200] =	vst v63  }
0x17: {  	_ =	swait.ge [sflag:s13], $0x1800  }
0x18: {  	s15 =	ssub.s32 $0x2, s15;
	[sflag:s13] =	ssyncset.done $0x0  }
0x19: {  	s16 =	sshrl.u32 s15, $0x1;
	[sflag:s13] =	ssyncadd.s32 $0xFFFFE800  }
0x1a: {  	s15 =	ssub.s32 s15, s16;
	_ =	swait.ge [sflag:s13], $0x1800  }
0x1b: {  	s15 =	smax.u32 s15, $0x1;
	[sflag:s13] =	ssyncset.done $0x0  }
0x1c: {  	p0 =	sne.s32 s15, $0x1;
	[sflag:s13] =	ssyncadd.s32 $0xFFFFE800  }
.Ltmp0:
0x1d: {  	_ =	swait.ge [sflag:s13], $0x1800;
	(pc) =	sbr.rel @!p0 .LBB2_2-.Ltmp0, $4  }
0x1e: {  	[sflag:s13] =	ssyncset.done $0x0  }
0x1f: {  	[sflag:s13] =	ssyncadd.s32 $0xFFFFE800  }
0x20: {  	_ =	swait.ge [sflag:s13], $0x1800  }
0x21: {  	s15 =	sadd.s32 $0xFFFFFFFF, s15;
	[sflag:s13] =	ssyncset.done $0x0  }
.LBB2_1:
0x22: {  	p0 =	sne.s32 s15, $0x1;
	s15 =	sadd.s32 $0xFFFFFFFF, s15;
	[sflag:s13] =	ssyncadd.s32 $0xFFFFE800  }
0x23: {  	[tilespmem:s2], [sflag:$0x2] =	stream.linear.gather [hbm4b:s3+s2], $0x200, $0x38;
	[tilespmem:$0x6200] =	vst v63  }
0x24: {  	_ =	swait.ge [sflag:s4], $0x200  }
0x25: {  	[sflag:s4] =	ssyncset.done $0x0  }
0x26: {  	[sflag:s4] =	ssyncadd.s32 $0xFFFFFE00  }
0x27: {  	[tilespmem:s6], [sflag:$0x2] =	stream.linear.gather [hbm4b:s5+s2], $0x6000, $0x38;
	[tilespmem:$0x6200] =	vst v63  }
0x28: {  	_ =	swait.ge [sflag:s4], $0x6000  }
0x29: {  	[sflag:s4] =	ssyncset.done $0x0  }
0x2a: {  	[sflag:s4] =	ssyncadd.s32 $0xFFFFA000  }
0x2b: {  	[hbm4b:s7+s8] =	stream.indirect.scatter [tilespmem:s6], [sflag:$0x1], $0x30, s2, s8, $0xb8;
	[tilespmem:$0x6200] =	vst v63  }
0x2c: {  	_ = 	snop  }
0x2d: {  	[hbm4b:s7+s8] =	stream.indirect.scatter [tilespmem:s9], [sflag:$0x1], $0x30, s8, s8, $0xb8;
	[tilespmem:$0x6200] =	vst v63  }
0x2e: {  	_ = 	snop  }
0x2f: {  	[hbm4b:s7+s8] =	stream.indirect.scatter [tilespmem:s11], [sflag:$0x1], $0x30, s10, s8, $0xb8;
	[tilespmem:$0x6200] =	vst v63  }
0x30: {  	_ = 	snop  }
0x31: {  	[hbm4b:s7+s8] =	stream.indirect.scatter [tilespmem:s14], [sflag:$0x1], $0x30, s12, s8, $0xb8;
	[tilespmem:$0x6200] =	vst v63  }
0x32: {  	_ =	swait.ge [sflag:s13], $0x1800  }
0x33: {  	[sflag:s13] =	ssyncset.done $0x0  }
0x34: {  	[sflag:s13] =	ssyncadd.s32 $0xFFFFE800  }
0x35: {  	_ =	swait.ge [sflag:s13], $0x1800  }
0x36: {  	[sflag:s13] =	ssyncset.done $0x0  }
0x37: {  	[sflag:s13] =	ssyncadd.s32 $0xFFFFE800  }
.Ltmp1:
0x38: {  	_ =	swait.ge [sflag:s13], $0x1800;
	(pc) =	sbr.rel @p0 .LBB2_1-.Ltmp1, $4  }
0x39: {  	[sflag:s13] =	ssyncset.done $0x0  }
0x3a: {  	[sflag:s13] =	ssyncadd.s32 $0xFFFFE800  }
0x3b: {  	_ =	swait.ge [sflag:s13], $0x1800  }
0x3c: {  	[sflag:s13] =	ssyncset.done $0x0  }
.LBB2_2:
0x3d: {  	[sflag:s13] =	ssyncadd.s32 $0xFFFFE800  }
0x3e: {  	_ =	sfence.sel $0x180000  }
0x3f: {  	[bflag:$0x0] =	sbarrier.arrive $0xFFFF  }
0x40: {  	p0 =	sne.s32 s1, $0x0;
	_ =	strace $0x90000047  }
0x41: {  	s0 =	sadd.s32 @!p0 $0x100000, s0;
	[bflag:$0x2] =	sbarrier.arrive $0xFFFF  }
0x42: {  	[sflag:s0] =	ssyncadd.tile.s32 @!p0 $0x1;
	_ =	shalt  }
.Lfunc_end2:
_tile_overlayer_lowered:
.L_overlay_start_2:
0x43: {  	(tag) =	ssettag $0x2  }
0x44: {  	s0 =	rddreg [dreg:$0x0];
	s2 =	stileid.u32  }
0x45: {  	s1 =	rddreg [dreg:$0x1];
	p0 =	sne.s32 s2, $0x0  }
0x46: {  	s3 =	rddreg [dreg:$0x2];
	[bflag:$0x3] =	sbarrier.arrive $0xFFFF;
	s2 =	simm.s32 @!p0 $0x1C02  }
0x47: {  	[timem:s3], [sflag:s2] =	dma.local @!p0 [hbm:s0], s1  }
0x48: {  	s0 =	simm.s32 @!p0 $0x2  }
0x49: {  	_ =	swait.ge @!p0 [sflag:s0], s1  }
0x4a: {  	s1 =	ssub.s32 @!p0 $0x0, s1;
	[sflag:s0] =	ssyncset.done @!p0 $0x0  }
0x4b: {  	[sflag:s0] =	ssyncadd.s32 @!p0 s1  }
0x4c: {  	[bflag:$0x3] =	sbarrier.arrive $0xFFFF  }
0x4d: {  	_ =	shalt  }

// kernel: kernel.9.cloned.1.call-start
scs
__scs_entry_jumppad:
0x0: {  	(pc) =	sbr.rel $0x88, $3  }
0x1: {  	(tag) =	ssettag $0x0;
	lr =	simm.s32 $0x1  }
0x2: {  	[smem:$0x3F99] =	sst lr;
	_ =	strace $0xD0000000  }
0x3: {  	_ = 	snop  }
0x4: {  	_ = 	snop  }
0x5: {  	_ = 	snop  }
0x6: {  	_ = 	snop  }
0x7: {  	_ = 	snop  }
__scs_overlays_trampoline_lowered:
0x8: {  	[smem:$0x3FA8] =	sst s0  }
0x9: {  	[smem:$0x3FA9] =	sst s1  }
0xa: {  	[smem:$0x3FAA] =	sst s2  }
0xb: {  	[smem:$0x3FAB] =	sst s3  }
0xc: {  	[smem:$0x3FAC] =	sst s4  }
0xd: {  	[smem:$0x3FAD] =	sst s5  }
0xe: {  	[smem:$0x3FAE] =	sst s6  }
0xf: {  	[smem:$0x3FAF] =	sst s7  }
0x10: {  	[smem:$0x3FB0] =	sst s8  }
0x11: {  	[smem:$0x3FB1] =	sst s9;
	s0 =	simm.s32 @!p0 $0x0  }
0x12: {  	s1 =	sld [smem:$0x3F97];
	s0 =	simm.s32 @p0 $0x1  }
0x13: {  	[smem:$0x3FB2] =	sst s0;
	s0 =	simm.s32 @!p1 $0x0  }
0x14: {  	s2 =	sld [smem:$0x3F96];
	s0 =	simm.s32 @p1 $0x1  }
0x15: {  	[smem:$0x3FB3] =	sst s0;
	s0 =	simm.s32 @!p2 $0x0  }
0x16: {  	s3 =	sld [smem:$0x3FDB];
	s0 =	simm.s32 @p2 $0x1  }
0x17: {  	s4 =	simm.s32 $0x1BF5;
	[smem:$0x3FB5] =	sst s0  }
0x18: {  	s0 =	sld [smem:$0x3F98];
	_ =	swait.ge [sflag:s4], $0x0  }
0x19: {  	s7 =	sld [smem:$0x3F99]  }
0x1a: {  	s8 =	sadd.s32 $0xFFFFE003, lr  }
0x1b: {  	s9 =	sadd.s32 $0xFFFFFEF7, lr;
	s5 =	simm.s32 $0xFFFFFFFF;
	p2 =	slt.u32 s8, $0xFFFFF086  }
0x1c: {  	p1 =	slt.u32 s9, $0xF7A;
	s5 =	simm.s32 @!p2 $0x0  }
0x1d: {  	s5 =	simm.s32 @p1 $0x1;
	p0 =	seq.s32 s7, s2  }
0x1e: {  	s7 =	smul.u32 @!p0 $0xF7A, s2;
	p2 =	seq.s32 @!p0 s5, $0x0  }
0x1f: {  	s9 =	smul.u32 $0xF7A, s1;
	s8 =	simm.s32 @!p0 $0x1BF5;
	p2 =	por !p2, p0  }
0x20: {  	[sflag:s8] =	ssyncset.s32 @!p0 $0xFFFFF086;
	s6 =	sadd.s32 @!p0 s3, s7;
	s7 =	simm.s32 @!p0 $0x108  }
0x21: {  	s3 =	sadd.s32 s3, s9;
	s6 =	sadd.s32 @!p0 $0x88, s6;
	s7 =	simm.s32 @p2 $0x1082  }
0x22: {  	[simem:s7], [sflag:s8] =	dma.local @!p0 [hbm:s6], $0xF7A  }
0x23: {  	s9 =	sor.u32 $0xD0000000, s2;
	s6 =	simm.s32 $0x108;
	_ =	swait.ge @!p0 [sflag:s8], $0x0  }
0x24: {  	s3 =	sadd.s32 $0x88, s3;
	s6 =	simm.s32 @!p1 $0x1082;
	[sflag:s4] =	ssyncset.s32 $0xFFFFF086  }
0x25: {  	[simem:s6], [sflag:s4] =	dma.local [hbm:s3], $0xF7A  }
0x26: {  	[smem:$0x3F99] =	sst s1;
	(tag) =	ssettag s2;
	_ =	strace s9  }
0x27: {  	s1 =	sld [smem:$0x3FA9]  }
0x28: {  	s2 =	sld [smem:$0x3FAA]  }
0x29: {  	s4 =	sld [smem:$0x3FAC]  }
0x2a: {  	p0 =	seq.s32 s5, $0x0;
	s5 =	sld [smem:$0x3FAD]  }
0x2b: {  	s6 =	sld [smem:$0x3FAE]  }
0x2c: {  	s7 =	sld [smem:$0x3FAF]  }
0x2d: {  	s3 =	simm.s32 $0x108;
	s8 =	sld [smem:$0x3FB0]  }
0x2e: {  	s3 =	simm.s32 @!p0 $0x1082;
	s9 =	sld [smem:$0x3FB1]  }
0x2f: {  	lr =	sadd.s32 s0, s3;
	s0 =	sld [smem:$0x3FA8]  }
0x30: {  	s3 =	sld [smem:$0x3FAB]  }
0x31: {  	[smem:$0x3FB4] =	sst s10  }
0x32: {  	s10 =	sld [smem:$0x3FB2];
	_ =	sdelay $0x3  }
0x33: {  	p0 =	seq.s32 s10, $0x1;
	s10 =	sld [smem:$0x3FB4];
	_ =	sdelay $0x3  }
0x34: {  	[smem:$0x3FB4] =	sst s10  }
0x35: {  	s10 =	sld [smem:$0x3FB3];
	_ =	sdelay $0x3  }
0x36: {  	p1 =	seq.s32 s10, $0x1;
	s10 =	sld [smem:$0x3FB4];
	_ =	sdelay $0x3  }
0x37: {  	[smem:$0x3FB4] =	sst s10  }
0x38: {  	s10 =	sld [smem:$0x3FB5]  }
0x39: {  	_ = 	snop;
	(pc) =	sbr.ind lr, $3  }
0x3a: {  	_ = 	snop  }
0x3b: {  	_ = 	snop  }
0x3c: {  	p2 =	seq.s32 s10, $0x1;
	s10 =	sld [smem:$0x3FB4]  }
0x3d: {  	_ =	shalt  }
0x3e: {  	_ =	shalt  }
0x3f: {  	_ =	shalt  }
0x40: {  	_ =	shalt  }
0x41: {  	_ =	shalt  }
0x42: {  	_ =	shalt  }
0x43: {  	_ =	shalt  }
0x44: {  	_ =	shalt  }
0x45: {  	_ =	shalt  }
0x46: {  	_ =	shalt  }
0x47: {  	_ =	shalt  }
0x48: {  	_ =	shalt  }
0x49: {  	_ =	shalt  }
0x4a: {  	_ =	shalt  }
0x4b: {  	_ =	shalt  }
0x4c: {  	_ =	shalt  }
0x4d: {  	_ =	shalt  }
0x4e: {  	_ =	shalt  }
0x4f: {  	_ =	shalt  }
0x50: {  	_ =	shalt  }
0x51: {  	_ =	shalt  }
0x52: {  	_ =	shalt  }
0x53: {  	_ =	shalt  }
0x54: {  	_ =	shalt  }
0x55: {  	_ =	shalt  }
0x56: {  	_ =	shalt  }
0x57: {  	_ =	shalt  }
0x58: {  	_ =	shalt  }
0x59: {  	_ =	shalt  }
0x5a: {  	_ =	shalt  }
0x5b: {  	_ =	shalt  }
0x5c: {  	_ =	shalt  }
0x5d: {  	_ =	shalt  }
0x5e: {  	_ =	shalt  }
0x5f: {  	_ =	shalt  }
0x60: {  	_ =	shalt  }
0x61: {  	_ =	shalt  }
0x62: {  	_ =	shalt  }
0x63: {  	_ =	shalt  }
0x64: {  	_ =	shalt  }
0x65: {  	_ =	shalt  }
0x66: {  	_ =	shalt  }
0x67: {  	_ =	shalt  }
0x68: {  	_ =	shalt  }
0x69: {  	_ =	shalt  }
0x6a: {  	_ =	shalt  }
0x6b: {  	_ =	shalt  }
0x6c: {  	_ =	shalt  }
0x6d: {  	_ =	shalt  }
0x6e: {  	_ =	shalt  }
0x6f: {  	_ =	shalt  }
0x70: {  	_ =	shalt  }
0x71: {  	_ =	shalt  }
0x72: {  	_ =	shalt  }
0x73: {  	_ =	shalt  }
0x74: {  	_ =	shalt  }
0x75: {  	_ =	shalt  }
0x76: {  	_ =	shalt  }
0x77: {  	_ =	shalt  }
0x78: {  	_ =	shalt  }
0x79: {  	_ =	shalt  }
0x7a: {  	_ =	shalt  }
0x7b: {  	_ =	shalt  }
0x7c: {  	_ =	shalt  }
0x7d: {  	_ =	shalt  }
0x7e: {  	_ =	shalt  }
0x7f: {  	_ =	shalt  }
0x80: {  	_ =	shalt  }
0x81: {  	_ =	shalt  }
0x82: {  	_ =	shalt  }
0x83: {  	_ =	shalt  }
0x84: {  	_ =	shalt  }
0x85: {  	_ =	shalt  }
0x86: {  	_ =	shalt  }
0x87: {  	_ =	shalt  }
.Lfunc_end0:
.L_simem_size_0:
called_computation.1_lowered:
.L_overlay_start_0:
0x88: {  	s2 =	sld [smem:$0x3FD9]  }
0x89: {  	s3 =	sld [smem:$0x3FFE];
	_ =	sdelay $0x1  }
0x8a: {  	s1 =	srdreg.scid  }
0x8b: {  	s0 =	sand.u32 $0x1, s1  }
0x8c: {  	s17 =	sshll.u32 s0, $0xA;
	s2 =	sadd.s32 s3, s2  }
0x8d: {  	s2 =	sadd.s32 s2, s17  }
0x8e: {  	[smem:$0x3FC0] =	sst s2  }
0x8f: {  	_ = 	snop  }
0x90: {  	s2 =	sld [smem:$0x3FD0];
	(tm) =	ssettm $0x1  }
0x91: {  	s18 =	sld [smem:$0x3FFB];
	_ =	sdelay $0x3  }
0x92: {  	_ =	strace s18  }
0x93: {  	s3 =	sld [smem:$0x3FFC];
	_ =	sdelay $0x3  }
0x94: {  	_ =	strace s3  }
0x95: {  	s3 =	sld [smem:$0x3FFD];
	_ =	sdelay $0x3  }
0x96: {  	_ =	strace s3  }
0x97: {  	_ =	strace $0x8FFFFFFF  }
0x98: {  	s19 =	sld [smem:$0x3FDB];
	_ =	sdelay $0x1  }
0x99: {  	s4 =	simm.s32 $_scs_section_size  }
0x9a: {  	s5 =	simm.s32 $_size__tile_overlayer_lowered;
	s6 =	simm.s32 $_tile_overlayer_lowered  }
0x9b: {  	s22 =	simm.s32 $0x1BFF;
	s21 =	sshll.u32 s6, $0x1;
	s3 =	sadd.s32 s4, s19  }
0x9c: {  	s7 =	simm.s32 $0x0;
	s20 =	sshll.u32 s5, $0x1;
	s5 =	sadd.s32 s21, s3  }
0x9d: {  	[timem:s7], [sflag:s22] =	dma.local [hbm:s5], s20  }
0x9e: {  	_ =	swait.ge [sflag:s22], s20  }
0x9f: {  	s4 =	ssub.s32 $0x0, s20;
	[sflag:s22] =	ssyncset.done $0x0  }
0xa0: {  	[sflag:s22] =	ssyncadd.s32 s4;
	_ =	sdelay $0x1  }
0xa1: {  	s23 =	simm.s32 $0x1B8B  }
0xa2: {  	_ =	swait.ge [sflag:s23], $0x1  }
0xa3: {  	[sflag:s23] =	ssyncset.done $0x0  }
0xa4: {  	s25 =	simm.s32 $0x1B8E;
	s24 =	sld [smem:$0x3FFE];
	[sflag:s23] =	ssyncadd.s32 $0xFFFFFFFF  }
0xa5: {  	s26 =	simm.s32 $execute0_lowered;
	[smem:$0x3FD2] =	sst s25  }
0xa6: {  	s5 =	sshll.u32 s26, $0x1;
	_ =	strace $0x80000049;
	[dreg:$0x1] =	wrdreg $0xFFFFFFFF  }
0xa7: {  	s28 =	simm.s32 $_size_execute0_lowered;
	s3 =	sadd.s32 s3, s5;
	[dreg:$0x0] =	wrdreg $0x0  }
0xa8: {  	s5 =	sshll.u32 s28, $0x1;
	[dreg:$0x2] =	wrdreg s3  }
0xa9: {  	[dreg:$0x3] =	wrdreg s5  }
0xaa: {  	[dreg:$0x4] =	wrdreg $0xC0  }
0xab: {  	_ =	task [dreg:s7], $0x5FFFF  }
0xac: {  	[dreg:$0x1] =	wrdreg $0xFFFFFFFF  }
0xad: {  	[dreg:$0x0] =	wrdreg $0x60  }
0xae: {  	[dreg:$0x2] =	wrdreg s24  }
0xaf: {  	[dreg:$0x3] =	wrdreg s2  }
0xb0: {  	[dreg:$0x4] =	wrdreg $0x9  }
0xb1: {  	_ =	task.clear_ibuf [dreg:s7], $0x5FFFF;
	_ =	strace $0x90000049  }
0xb2: {  	s29 =	simm.s32 $0x9;
	_ =	strace $0x8000004B  }
0xb3: {  	_ =	swait.ge [sflag:s29], $0x1  }
0xb4: {  	[sflag:s29] =	ssyncadd.s32 $0xFFFFFFFF  }
0xb5: {  	_ =	strace $0x9000004B  }
0xb6: {  	_ =	sfence  }
0xb7: {  	s30 =	sld [smem:$0x0];
	_ =	sdelay $0x2  }
0xb8: {  	s31 =	sshll.u32 s1, $0xD;
	s1 =	sshrl.u32 s1, $0x2  }
0xb9: {  	s3 =	sand.u32 $0x4000, s31;
	s1 =	sadd.s32 s1, s30  }
0xba: {  	s0 =	sor.u32 s3, s0;
	s1 =	sshll.u32 s1, $0x11  }
0xbb: {  	s0 =	sor.u32 s1, s0  }
0xbc: {  	s0 =	sadd.s32 $0x8F2B, s0  }
0xbd: {  	[sflag:s0] =	ssyncadd.remote.s32 $0x1  }
0xbe: {  	_ =	sfence.sel $0xFFFF  }
0xbf: {  	[dreg:$0x0] =	wrdreg $0xFFFFFFFF;
	(pc) =	sbr.abs _section_cstart, $3  }
0xc0: {  	[dreg:$0x1] =	wrdreg $0xFFFFFFFF  }
0xc1: {  	_ =	task.clear_ibuf [dreg:s7], $0x2FFFF;
	_ =	strace $0x9FFFFFFF  }
0xc2: {  	(tm) =	ssettm $0x7FFFFFFF  }
0xc3: {  	_ =	shalt  }
tec
execute0_lowered:
.L_overlay_start_1:
0x0: {  	(tag) =	ssettag $0x1  }
0x1: {  	s14 =	rddreg [dreg:$0x0]  }
0x2: {  	s1 =	srdreg.scid;
	s0 =	stileid.u32  }
0x3: {  	s3 =	rddreg [dreg:$0x1];
	s15 =	sand.u32 $0x1, s1;
	s4 =	sshll.u32 s0, $0x1  }
0x4: {  	s2 =	simm.s32 $0x0;
	s1 =	rddreg [dreg:$0x2];
	s16 =	sor.u32 s15, s4  }
0x5: {  	[smem:$0x7FF] =	sst s2;
	s4 =	sshll.u32 s16, $0x6  }
0x6: {  	_ =	strace $0x8000004A;
	s4 =	sadd.s32 s3, s4;
	s3 =	simm.s32 $0x2  }
0x7: {  	[tilespmem:s2], [sflag:$0x2] =	stream.linear.gather [hbm4b:s4+s2], $0x200, $0x38;
	[tilespmem:$0x2200] =	vst v63  }
0x8: {  	_ =	swait.ge [sflag:s3], $0x200  }
0x9: {  	s6 =	simm.s32 $0x80;
	[sflag:s3] =	ssyncset.done $0x0  }
0xa: {  	s7 =	simm.s32 $0x200;
	s5 =	sadd.s32 $0xC00, s14;
	[sflag:s3] =	ssyncadd.s32 $0xFFFFFE00  }
0xb: {  	[tilespmem:s7], [sflag:$0x1] =	stream.indirect.gather [hbm4b:s5+s6], $0x10, s2, s6, $0xb8;
	[tilespmem:$0x2200] =	vst v63  }
0xc: {  	s8 =	simm.s32 $0xA00  }
0xd: {  	[tilespmem:s8], [sflag:$0x1] =	stream.indirect.gather [hbm4b:s5+s6], $0x10, s6, s6, $0xb8;
	[tilespmem:$0x2200] =	vst v63  }
0xe: {  	s9 =	simm.s32 $0x100;
	s10 =	simm.s32 $0x1200  }
0xf: {  	[tilespmem:s10], [sflag:$0x1] =	stream.indirect.gather [hbm4b:s5+s6], $0x10, s9, s6, $0xb8;
	[tilespmem:$0x2200] =	vst v63  }
0x10: {  	s11 =	simm.s32 $0x180;
	s12 =	simm.s32 $0x1A00;
	s13 =	simm.s32 $0x1  }
0x11: {  	[tilespmem:s12], [sflag:$0x1] =	stream.indirect.gather [hbm4b:s5+s6], $0x10, s11, s6, $0xb8;
	[tilespmem:$0x2200] =	vst v63  }
0x12: {  	_ =	swait.ge [sflag:s13], $0x800  }
0x13: {  	[sflag:s13] =	ssyncset.done $0x0  }
0x14: {  	[sflag:s13] =	ssyncadd.s32 $0xFFFFF800  }
0x15: {  	_ =	swait.ge [sflag:s13], $0x800  }
0x16: {  	[sflag:s13] =	ssyncset.done $0x0  }
0x17: {  	s15 =	ssub.s32 $0x2, s15;
	[sflag:s13] =	ssyncadd.s32 $0xFFFFF800  }
0x18: {  	s17 =	sshrl.u32 s15, $0x1;
	_ =	swait.ge [sflag:s13], $0x800  }
0x19: {  	s15 =	ssub.s32 s15, s17;
	[sflag:s13] =	ssyncset.done $0x0  }
0x1a: {  	s15 =	smax.u32 s15, $0x1;
	[sflag:s13] =	ssyncadd.s32 $0xFFFFF800  }
0x1b: {  	s16 =	sshll.u32 s16, $0xA;
	p0 =	sne.s32 s15, $0x1;
	_ =	swait.ge [sflag:s13], $0x800  }
.Ltmp0:
0x1c: {  	s14 =	sadd.s32 s16, s14;
	[sflag:s13] =	ssyncset.done $0x0;
	(pc) =	sbr.rel @!p0 .LBB2_2-.Ltmp0, $4  }
0x1d: {  	s14 =	sadd.s32 $0xC400, s14;
	[sflag:s13] =	ssyncadd.s32 $0xFFFFF800  }
0x1e: {  	[hbm4b:s14+s2] =	stream.linear.scatter [tilespmem:s7], [sflag:$0x2], $0x2000, $0x38;
	[tilespmem:$0x2200] =	vst v63  }
0x1f: {  	_ =	swait.ge [sflag:s3], $0x2000  }
0x20: {  	s15 =	sadd.s32 $0xFFFFFFFF, s15;
	[sflag:s3] =	ssyncset.done $0x0  }
.LBB2_1:
0x21: {  	p0 =	sne.s32 s15, $0x1;
	s15 =	sadd.s32 $0xFFFFFFFF, s15;
	[sflag:s3] =	ssyncadd.s32 $0xFFFFE000  }
0x22: {  	[tilespmem:s2], [sflag:$0x2] =	stream.linear.gather [hbm4b:s4+s2], $0x200, $0x38;
	[tilespmem:$0x2200] =	vst v63  }
0x23: {  	_ =	swait.ge [sflag:s3], $0x200  }
0x24: {  	[sflag:s3] =	ssyncset.done $0x0  }
0x25: {  	[sflag:s3] =	ssyncadd.s32 $0xFFFFFE00  }
0x26: {  	[tilespmem:s7], [sflag:$0x1] =	stream.indirect.gather [hbm4b:s5+s6], $0x10, s2, s6, $0xb8;
	[tilespmem:$0x2200] =	vst v63  }
0x27: {  	_ = 	snop  }
0x28: {  	[tilespmem:s8], [sflag:$0x1] =	stream.indirect.gather [hbm4b:s5+s6], $0x10, s6, s6, $0xb8;
	[tilespmem:$0x2200] =	vst v63  }
0x29: {  	_ = 	snop  }
0x2a: {  	[tilespmem:s10], [sflag:$0x1] =	stream.indirect.gather [hbm4b:s5+s6], $0x10, s9, s6, $0xb8;
	[tilespmem:$0x2200] =	vst v63  }
0x2b: {  	_ = 	snop  }
0x2c: {  	[tilespmem:s12], [sflag:$0x1] =	stream.indirect.gather [hbm4b:s5+s6], $0x10, s11, s6, $0xb8;
	[tilespmem:$0x2200] =	vst v63  }
0x2d: {  	_ =	swait.ge [sflag:s13], $0x800  }
0x2e: {  	[sflag:s13] =	ssyncset.done $0x0  }
0x2f: {  	[sflag:s13] =	ssyncadd.s32 $0xFFFFF800  }
0x30: {  	_ =	swait.ge [sflag:s13], $0x800  }
0x31: {  	[sflag:s13] =	ssyncset.done $0x0  }
0x32: {  	[sflag:s13] =	ssyncadd.s32 $0xFFFFF800  }
0x33: {  	_ =	swait.ge [sflag:s13], $0x800  }
0x34: {  	[sflag:s13] =	ssyncset.done $0x0  }
0x35: {  	[sflag:s13] =	ssyncadd.s32 $0xFFFFF800  }
0x36: {  	_ =	swait.ge [sflag:s13], $0x800  }
.Ltmp1:
0x37: {  	[sflag:s13] =	ssyncset.done $0x0;
	(pc) =	sbr.rel @p0 .LBB2_1-.Ltmp1, $4  }
0x38: {  	[sflag:s13] =	ssyncadd.s32 $0xFFFFF800  }
0x39: {  	[hbm4b:s14+s2] =	stream.linear.scatter [tilespmem:s7], [sflag:$0x2], $0x2000, $0x38;
	[tilespmem:$0x2200] =	vst v63  }
0x3a: {  	_ =	swait.ge [sflag:s3], $0x2000  }
0x3b: {  	[sflag:s3] =	ssyncset.done $0x0  }
.LBB2_2:
0x3c: {  	[sflag:s3] =	ssyncadd.s32 $0xFFFFE000  }
0x3d: {  	_ =	sfence.sel $0x180000  }
0x3e: {  	[bflag:$0x0] =	sbarrier.arrive $0xFFFF  }
0x3f: {  	p0 =	sne.s32 s0, $0x0;
	_ =	strace $0x9000004A  }
0x40: {  	s0 =	sadd.s32 @!p0 $0x100000, s1;
	[bflag:$0x2] =	sbarrier.arrive $0xFFFF  }
0x41: {  	[sflag:s0] =	ssyncadd.tile.s32 @!p0 $0x1;
	_ =	shalt  }
.Lfunc_end2:
_tile_overlayer_lowered:
.L_overlay_start_2:
0x42: {  	(tag) =	ssettag $0x2  }
0x43: {  	s0 =	rddreg [dreg:$0x0];
	s2 =	stileid.u32  }
0x44: {  	s1 =	rddreg [dreg:$0x1];
	p0 =	sne.s32 s2, $0x0  }
0x45: {  	s3 =	rddreg [dreg:$0x2];
	[bflag:$0x3] =	sbarrier.arrive $0xFFFF;
	s2 =	simm.s32 @!p0 $0x1C02  }
0x46: {  	[timem:s3], [sflag:s2] =	dma.local @!p0 [hbm:s0], s1  }
0x47: {  	s0 =	simm.s32 @!p0 $0x2  }
0x48: {  	_ =	swait.ge @!p0 [sflag:s0], s1  }
0x49: {  	s1 =	ssub.s32 @!p0 $0x0, s1;
	[sflag:s0] =	ssyncset.done @!p0 $0x0  }
0x4a: {  	[sflag:s0] =	ssyncadd.s32 @!p0 s1  }
0x4b: {  	[bflag:$0x3] =	sbarrier.arrive $0xFFFF  }
0x4c: {  	_ =	shalt  }

</sc_bundles>
